<compile_context>
chip_gen: v7x
topology: tpu7x:2x2x1
jax: 0.10.2.dev20260603
libtpu: 0.0.44.dev20260713+nightly
codegen_flags: <defaults>
</compile_context>

<pallas_src>
import functools

import jax
import jax.numpy as jnp
from jax import lax
from jax.experimental import pallas as pl
from jax.experimental.pallas import tpu as pltpu
from jax.experimental.pallas import tpu_sc as plsc

N = 10000
E = 320000
NPAD = 10240
NACC = 10112
CHUNK = 1000
CPT = 10
EPT = CPT * CHUNK
TILES = 32
DEGW = 8
NBUF = 2
RPT = NPAD // 16
RPA = NACC // 16

_MESH = dict(core_axis_name="c", subcore_axis_name="s")
_SC_PARAMS = pltpu.CompilerParams(use_tc_tiling_on_sc=False)



@functools.partial(
    pl.kernel,
    out_type=jax.ShapeDtypeStruct((NACC, 128), jnp.float32),
    mesh=plsc.VectorSubcoreMesh(**_MESH),
    scratch_types=[
        pltpu.VMEM((EPT,), jnp.int32),
        pltpu.VMEM((CHUNK, DEGW), jnp.float32),
        pltpu.VMEM_SHARED((NACC, DEGW), jnp.float32),
        pltpu.SemaphoreType.DMA,
    ],
    compiler_params=_SC_PARAMS,
)
def _deg_kernel(ei_hbm, ones_hbm, zeros_hbm, out_hbm, dst_v, ones_v, acc_sh, sem):
    cid = lax.axis_index("c")
    sid = lax.axis_index("s")
    wid = cid * 16 + sid
    pltpu.sync_copy(ei_hbm.at[1, pl.ds(wid * EPT, EPT)], dst_v)
    pltpu.sync_copy(ones_hbm, ones_v)
    row0 = sid * RPA
    pltpu.sync_copy(zeros_hbm.at[pl.ds(row0, RPA)],
                    acc_sh.at[pl.ds(row0, RPA)])
    plsc.subcore_barrier()

    def fire(j, carry):
        pltpu.async_copy(ones_v, acc_sh.at[dst_v.at[pl.ds(j * CHUNK, CHUNK)]],
                         sem, add=True)
        return carry

    lax.fori_loop(0, CPT, fire, 0)

    def drain(j, carry):
        pltpu.make_async_copy(ones_v, acc_sh.at[dst_v.at[pl.ds(0, CHUNK)]],
                              sem).wait()
        return carry

    lax.fori_loop(0, CPT, drain, 0)
    plsc.subcore_barrier()
    pltpu.sync_copy(acc_sh.at[pl.ds(row0, RPA)],
                    out_hbm.at[pl.ds(row0, RPA), pl.ds(cid * DEGW, DEGW)])


def _make_scatter(D, staged):
    @functools.partial(
        pl.kernel,
        out_type=jax.ShapeDtypeStruct((NACC, 128), jnp.float32),
        mesh=plsc.VectorSubcoreMesh(**_MESH),
        scratch_types=(
            [pltpu.VMEM((EPT,), jnp.int32),
             pltpu.VMEM((EPT,), jnp.int32)]
            + [pltpu.VMEM((CHUNK, D), jnp.float32) for _ in range(NBUF)]
            + ([pltpu.VMEM((RPT, D), jnp.float32),
                pltpu.VMEM_SHARED((N, D), jnp.float32)] if staged else [])
            + [pltpu.VMEM_SHARED((NACC, D), jnp.float32)]
            + [pltpu.SemaphoreType.DMA for _ in range(2 * NBUF)]
        ),
        compiler_params=_SC_PARAMS,
    )
    def _scat(ei_hbm, y_hbm, zeros_hbm, out_hbm, src_v, dst_v, *rest):
        bufs = rest[:NBUF]
        nst = 2 if staged else 0
        if staged:
            stage_v, ysh = rest[NBUF:NBUF + 2]
        acc_sh = rest[NBUF + nst]
        gsem = rest[NBUF + nst + 1:NBUF + nst + 1 + NBUF]
        ssem = rest[NBUF + nst + 1 + NBUF:]
        cid = lax.axis_index("c")
        sid = lax.axis_index("s")
        wid = cid * 16 + sid
        pltpu.sync_copy(ei_hbm.at[0, pl.ds(wid * EPT, EPT)], src_v)
        pltpu.sync_copy(ei_hbm.at[1, pl.ds(wid * EPT, EPT)], dst_v)
        row0 = sid * RPA
        pltpu.sync_copy(zeros_hbm.at[pl.ds(row0, RPA)],
                        acc_sh.at[pl.ds(row0, RPA)])
        if staged:
            nstage = N - 15 * RPT
            srow0 = sid * RPT

            @pl.when(sid < 15)
            def _():
                pltpu.sync_copy(y_hbm.at[pl.ds(srow0, RPT), pl.ds(0, D)],
                                stage_v)
                pltpu.sync_copy(stage_v, ysh.at[pl.ds(srow0, RPT)])

            @pl.when(sid == 15)
            def _():
                pltpu.sync_copy(y_hbm.at[pl.ds(15 * RPT, nstage), pl.ds(0, D)],
                                stage_v.at[pl.ds(0, nstage)])
                pltpu.sync_copy(stage_v.at[pl.ds(0, nstage)],
                                ysh.at[pl.ds(15 * RPT, nstage)])

        plsc.subcore_barrier()

        def sidx(j):
            return src_v.at[pl.ds(j * CHUNK, CHUNK)]

        def didx(j):
            return dst_v.at[pl.ds(j * CHUNK, CHUNK)]

        def gsrc(j):
            return ysh.at[sidx(j)] if staged else y_hbm.at[sidx(j)]

        for b in range(NBUF):
            pltpu.async_copy(gsrc(b), bufs[b], gsem[b])

        def body(o, carry):
            j0 = o * NBUF
            for b in range(NBUF):
                j = j0 + b
                pltpu.make_async_copy(gsrc(j), bufs[b], gsem[b]).wait()
                pltpu.async_copy(bufs[b], acc_sh.at[didx(j)], ssem[b],
                                 add=True)
            for b in range(NBUF):
                j = j0 + b

                @pl.when(j + NBUF < CPT)
                def _():
                    pltpu.make_async_copy(bufs[b], acc_sh.at[didx(j)],
                                          ssem[b]).wait()
                    pltpu.async_copy(gsrc(j + NBUF), bufs[b], gsem[b])
            return carry

        lax.fori_loop(0, CPT // NBUF, body, 0)
        for b in range(NBUF):
            pltpu.make_async_copy(bufs[b], acc_sh.at[didx(CPT - NBUF + b)],
                                  ssem[b]).wait()
        plsc.subcore_barrier()
        pltpu.sync_copy(acc_sh.at[pl.ds(row0, RPA)],
                        out_hbm.at[pl.ds(row0, RPA), pl.ds(cid * D, D)])

    return _scat


_scat32 = _make_scatter(32, staged=False)
_scat16 = _make_scatter(16, staged=True)



_RB = 2000
_GRID = (N // _RB,)
_row_spec128 = pl.BlockSpec((_RB, 128), lambda i: (i, 0))


def _dis_block(deg_ref, off):
    deg = deg_ref[:, off:off + 1] + deg_ref[:, off + DEGW:off + DEGW + 1] + 1.0
    return lax.rsqrt(deg)


def _tcxw_body(x_ref, w_ref, xw_ref):
    xw_ref[...] = jnp.dot(x_ref[...], w_ref[...],
                          preferred_element_type=jnp.float32)


_tcxw = pl.pallas_call(
    _tcxw_body,
    grid=_GRID,
    in_specs=[
        _row_spec128,
        pl.BlockSpec((128, 32), lambda i: (0, 0)),
    ],
    out_specs=pl.BlockSpec((_RB, 32), lambda i: (i, 0)),
    out_shape=jax.ShapeDtypeStruct((N, 32), jnp.float32),
)


def _tcscale_body(xw_ref, deg_ref, y_ref, dis8_ref):
    dis = _dis_block(deg_ref, 0)
    y_ref[...] = xw_ref[...] * dis
    dis8_ref[...] = jnp.broadcast_to(dis, (_RB, 8))


_tcscale = pl.pallas_call(
    _tcscale_body,
    grid=_GRID,
    in_specs=[
        pl.BlockSpec((_RB, 32), lambda i: (i, 0)),
        _row_spec128,
    ],
    out_specs=[pl.BlockSpec((_RB, 32), lambda i: (i, 0)),
               pl.BlockSpec((_RB, 8), lambda i: (i, 0))],
    out_shape=[jax.ShapeDtypeStruct((N, 32), jnp.float32),
               jax.ShapeDtypeStruct((N, 8), jnp.float32)],
)


def _tcB_body(s_ref, xw_ref, dis_ref, b1_ref, w2_ref, y2_ref):
    dis = dis_ref[:, 0:1]
    h = dis * (s_ref[:, 0:32] + s_ref[:, 32:64]) \
        + (dis * dis) * xw_ref[...] + b1_ref[...]
    h = jnp.maximum(h, 0.0)
    y2_ref[:, 0:16] = jnp.dot(h, w2_ref[...],
                              preferred_element_type=jnp.float32) * dis


_tcB = pl.pallas_call(
    _tcB_body,
    grid=_GRID,
    in_specs=[
        _row_spec128,
        pl.BlockSpec((_RB, 32), lambda i: (i, 0)),
        pl.BlockSpec((_RB, 8), lambda i: (i, 0)),
        pl.BlockSpec((1, 32), lambda i: (0, 0)),
        pl.BlockSpec((32, 16), lambda i: (0, 0)),
    ],
    out_specs=_row_spec128,
    out_shape=jax.ShapeDtypeStruct((N, 128), jnp.float32),
)


def _tcC_body(s_ref, y2_ref, dis_ref, b2_ref, w3_ref, b3_ref, out_ref):
    dis = dis_ref[:, 0:1]
    h = dis * (s_ref[:, 0:16] + s_ref[:, 16:32] + y2_ref[:, 0:16]) \
        + b2_ref[...]
    h = jnp.maximum(h, 0.0)
    out_ref[...] = jnp.dot(h, w3_ref[...],
                           preferred_element_type=jnp.float32) + b3_ref[...]


_tcC = pl.pallas_call(
    _tcC_body,
    grid=_GRID,
    in_specs=[
        _row_spec128,
        _row_spec128,
        pl.BlockSpec((_RB, 8), lambda i: (i, 0)),
        pl.BlockSpec((1, 16), lambda i: (0, 0)),
        pl.BlockSpec((16, 2), lambda i: (0, 0)),
        pl.BlockSpec((1, 2), lambda i: (0, 0)),
    ],
    out_specs=pl.BlockSpec((_RB, 2), lambda i: (i, 0)),
    out_shape=jax.ShapeDtypeStruct((N, 2), jnp.float32),
)



def kernel(x, edge_index, W1, b1, W2, b2, W3, b3):
    ei = edge_index.astype(jnp.int32)

    ones_deg = jnp.ones((CHUNK, DEGW), jnp.float32)
    zeros_deg = jnp.zeros((NACC, DEGW), jnp.float32)
    zeros32 = jnp.zeros((NACC, 32), jnp.float32)
    zeros16 = jnp.zeros((NACC, 16), jnp.float32)

    deg2 = _deg_kernel(ei, ones_deg, zeros_deg)
    xw = _tcxw(x, W1)
    y1, dis8 = _tcscale(xw, deg2)
    s1 = _scat32(ei, y1, zeros32)
    y2 = _tcB(s1, xw, dis8, b1.reshape(1, 32), W2)
    s2 = _scat16(ei, y2, zeros16)
    out = _tcC(s2, y2, dis8, b2.reshape(1, 16), W3, b3.reshape(1, 2))
    return out

# --- scband reference (transcript-rebuilt; emitter-appended) ---
"""Pipeline reference for scband-titanic-gcn-54451595379031 (READ-ONLY COPY).

The authoritative reference and input builder live on the scoring server;
editing this copy changes nothing except your own understanding.
"""

import jax, jax.numpy as jnp
import numpy as np

N_NODES = 10000
N_EDGES = 320000
IN_CH = 128
HID = 32


def setup_inputs(seed: int = 0) -> dict:
    key = jax.random.key(seed)
    k1, k2, k3, k4, k5 = jax.random.split(key, 5)
    x = jax.random.normal(k1, (N_NODES, IN_CH), dtype=jnp.float32)
    edge_index = jax.random.randint(k2, (2, N_EDGES), 0, N_NODES, dtype=jnp.int64)
    W1 = jax.random.normal(k3, (IN_CH, HID), dtype=jnp.float32) * 0.05
    b1 = jnp.zeros((HID,), dtype=jnp.float32)
    W2 = jax.random.normal(k4, (HID, HID // 2), dtype=jnp.float32) * 0.05
    b2 = jnp.zeros((HID // 2,), dtype=jnp.float32)
    W3 = jax.random.normal(k5, (HID // 2, 2), dtype=jnp.float32) * 0.05
    b3 = jnp.zeros((2,), dtype=jnp.float32)
    return {"x": x, "edge_index": edge_index, "W1": W1, "b1": b1, "W2": W2, "b2": b2, "W3": W3, "b3": b3}


def gcn_conv(x, edge_index, W, b):
    # GCNConv with add_self_loops=True: x' = D^{-1/2}(A+I)D^{-1/2} X W + b
    n = x.shape[0]
    loop = jnp.arange(n, dtype=edge_index.dtype)
    src = jnp.concatenate([edge_index[0], loop])
    dst = jnp.concatenate([edge_index[1], loop])
    deg = jnp.zeros((n,), dtype=x.dtype).at[dst].add(1.0)
    deg_inv_sqrt = jnp.where(deg > 0, deg ** -0.5, 0.0)
    norm = deg_inv_sqrt[src] * deg_inv_sqrt[dst]
    xw = x @ W
    msg = xw[src] * norm[:, None]
    out = jnp.zeros((n, W.shape[1]), dtype=x.dtype).at[dst].add(msg)
    return out + b


def reference(x, edge_index, W1, b1, W2, b2, W3, b3):
    # eval mode: dropout is identity
    h = gcn_conv(x, edge_index, W1, b1)
    h = jax.nn.relu(h)
    h = gcn_conv(h, edge_index, W2, b2)
    h = jax.nn.relu(h)
    out = h @ W3 + b3
    return out

if __name__ == "__main__":
    import jax
    _d = setup_inputs()
    print(jax.jit(kernel)(*tuple(_d.values())))

</pallas_src>

<mosaic_0001>
#map = affine_map<(d0, d1) -> (0, 0)>
module attributes {stable_mosaic.version = 14 : i64} {
  func.func @_scat(%arg0: i32, %arg1: i32, %arg2: memref<2x320000xi32, #tpu.memory_space<hbm>>, %arg3: memref<10000x32xf32, #tpu.memory_space<hbm>>, %arg4: memref<10112x32xf32, #tpu.memory_space<hbm>>, %arg5: memref<10112x128xf32, #tpu.memory_space<hbm>>, %arg6: memref<10000xi32, #tpu.memory_space<vmem>>, %arg7: memref<10000xi32, #tpu.memory_space<vmem>>, %arg8: memref<1000x32xf32, #tpu.memory_space<vmem>>, %arg9: memref<1000x32xf32, #tpu.memory_space<vmem>>, %arg10: memref<10112x32xf32, #tpu.memory_space<vmem_shared>>, %arg11: memref<!tpu.dma_semaphore, #tpu.memory_space<semaphore_mem>>, %arg12: memref<!tpu.dma_semaphore, #tpu.memory_space<semaphore_mem>>, %arg13: memref<!tpu.dma_semaphore, #tpu.memory_space<semaphore_mem>>, %arg14: memref<!tpu.dma_semaphore, #tpu.memory_space<semaphore_mem>>) attributes {dimension_semantics = [#tpu.dimension_semantics<core_parallel>, #tpu.dimension_semantics<subcore_parallel>], iteration_bounds = array<i64: 2, 16>, scalar_prefetch = 0 : i64, scratch_operands = 9 : i64, tpu.core_type = #tpu.core_type<sc_vector_subcore>, window_params = [{transform_indices = #map}, {transform_indices = #map}, {transform_indices = #map}, {transform_indices = #map}]} {
    %mul3A = arith.constant 16 : i32
    %mul3A_0 = arith.muli %arg0, %mul3A : i32
    %add3A = arith.addi %mul3A_0, %arg1 : i32
    %mul3A_1 = arith.constant 10000 : i32
    %mul3A_2 = arith.muli %add3A, %mul3A_1 : i32
    %run_scoped3A = arith.constant 0 : i32
    "tpu.region"() ({
      %run_scoped3A_34 = tpu.sem_alloc : memref<!tpu.dma_semaphore, #tpu.memory_space<semaphore_mem>>
      %dma_start3A_35 = tpu.memref_slice %arg2[%run_scoped3A, %mul3A_2] : memref<2x320000xi32, #tpu.memory_space<hbm>> -> memref<1x10000xi32, #tpu.memory_space<hbm>>
      %dma_start3A_36 = tpu.memref_squeeze %dma_start3A_35 : memref<1x10000xi32, #tpu.memory_space<hbm>> -> memref<10000xi32, #tpu.memory_space<hbm>>
      %dma_start3A_37 = tpu.memref_slice %arg2[%run_scoped3A, %mul3A_2] : memref<2x320000xi32, #tpu.memory_space<hbm>> -> memref<1x10000xi32, #tpu.memory_space<hbm>>
      %dma_start3A_38 = tpu.memref_squeeze %dma_start3A_37 : memref<1x10000xi32, #tpu.memory_space<hbm>> -> memref<10000xi32, #tpu.memory_space<hbm>>
      tpu.enqueue_dma source(%dma_start3A_38 : memref<10000xi32, #tpu.memory_space<hbm>>) target(%arg6 : memref<10000xi32, #tpu.memory_space<vmem>>) target_semaphore(%run_scoped3A_34 : memref<!tpu.dma_semaphore, #tpu.memory_space<semaphore_mem>>)
      %dma_wait3A_39 = tpu.memref_slice %arg2[%run_scoped3A, %mul3A_2] : memref<2x320000xi32, #tpu.memory_space<hbm>> -> memref<1x10000xi32, #tpu.memory_space<hbm>>
      %dma_wait3A_40 = tpu.memref_squeeze %dma_wait3A_39 : memref<1x10000xi32, #tpu.memory_space<hbm>> -> memref<10000xi32, #tpu.memory_space<hbm>>
      %dma_wait3A_41 = tpu.memref_slice %arg2[%run_scoped3A, %mul3A_2] : memref<2x320000xi32, #tpu.memory_space<hbm>> -> memref<1x10000xi32, #tpu.memory_space<hbm>>
      %dma_wait3A_42 = tpu.memref_squeeze %dma_wait3A_41 : memref<1x10000xi32, #tpu.memory_space<hbm>> -> memref<10000xi32, #tpu.memory_space<hbm>>
      tpu.wait_dma2 semaphore(%run_scoped3A_34 : memref<!tpu.dma_semaphore, #tpu.memory_space<semaphore_mem>>) src(%dma_wait3A_42 : memref<10000xi32, #tpu.memory_space<hbm>>) dst(%arg6 : memref<10000xi32, #tpu.memory_space<vmem>>)
      tpu.yield
    }) : () -> ()
    %mul3A_3 = arith.constant 10000 : i32
    %mul3A_4 = arith.muli %add3A, %mul3A_3 : i32
    %run_scoped3A_5 = arith.constant 1 : i32
    "tpu.region"() ({
      %run_scoped3A_34 = tpu.sem_alloc : memref<!tpu.dma_semaphore, #tpu.memory_space<semaphore_mem>>
      %dma_start3A_35 = tpu.memref_slice %arg2[%run_scoped3A_5, %mul3A_4] : memref<2x320000xi32, #tpu.memory_space<hbm>> -> memref<1x10000xi32, #tpu.memory_space<hbm>>
      %dma_start3A_36 = tpu.memref_squeeze %dma_start3A_35 : memref<1x10000xi32, #tpu.memory_space<hbm>> -> memref<10000xi32, #tpu.memory_space<hbm>>
      %dma_start3A_37 = tpu.memref_slice %arg2[%run_scoped3A_5, %mul3A_4] : memref<2x320000xi32, #tpu.memory_space<hbm>> -> memref<1x10000xi32, #tpu.memory_space<hbm>>
      %dma_start3A_38 = tpu.memref_squeeze %dma_start3A_37 : memref<1x10000xi32, #tpu.memory_space<hbm>> -> memref<10000xi32, #tpu.memory_space<hbm>>
      tpu.enqueue_dma source(%dma_start3A_38 : memref<10000xi32, #tpu.memory_space<hbm>>) target(%arg7 : memref<10000xi32, #tpu.memory_space<vmem>>) target_semaphore(%run_scoped3A_34 : memref<!tpu.dma_semaphore, #tpu.memory_space<semaphore_mem>>)
      %dma_wait3A_39 = tpu.memref_slice %arg2[%run_scoped3A_5, %mul3A_4] : memref<2x320000xi32, #tpu.memory_space<hbm>> -> memref<1x10000xi32, #tpu.memory_space<hbm>>
      %dma_wait3A_40 = tpu.memref_squeeze %dma_wait3A_39 : memref<1x10000xi32, #tpu.memory_space<hbm>> -> memref<10000xi32, #tpu.memory_space<hbm>>
      %dma_wait3A_41 = tpu.memref_slice %arg2[%run_scoped3A_5, %mul3A_4] : memref<2x320000xi32, #tpu.memory_space<hbm>> -> memref<1x10000xi32, #tpu.memory_space<hbm>>
      %dma_wait3A_42 = tpu.memref_squeeze %dma_wait3A_41 : memref<1x10000xi32, #tpu.memory_space<hbm>> -> memref<10000xi32, #tpu.memory_space<hbm>>
      tpu.wait_dma2 semaphore(%run_scoped3A_34 : memref<!tpu.dma_semaphore, #tpu.memory_space<semaphore_mem>>) src(%dma_wait3A_42 : memref<10000xi32, #tpu.memory_space<hbm>>) dst(%arg7 : memref<10000xi32, #tpu.memory_space<vmem>>)
      tpu.yield
    }) : () -> ()
    %mul3A_6 = arith.constant 632 : i32
    %mul3A_7 = arith.muli %arg1, %mul3A_6 : i32
    "tpu.region"() ({
      %run_scoped3A_34 = tpu.sem_alloc : memref<!tpu.dma_semaphore, #tpu.memory_space<semaphore_mem>>
      %dma_start3A_35 = arith.constant 0 : i32
      %dma_start3A_36 = tpu.memref_slice %arg10[%mul3A_7, %dma_start3A_35] : memref<10112x32xf32, #tpu.memory_space<vmem_shared>> -> memref<632x32xf32, #tpu.memory_space<vmem_shared>>
      %dma_start3A_37 = arith.constant 0 : i32
      %dma_start3A_38 = tpu.memref_slice %arg4[%mul3A_7, %dma_start3A_37] : memref<10112x32xf32, #tpu.memory_space<hbm>> -> memref<632x32xf32, #tpu.memory_space<hbm>>
      tpu.enqueue_dma source(%dma_start3A_38 : memref<632x32xf32, #tpu.memory_space<hbm>>) target(%dma_start3A_36 : memref<632x32xf32, #tpu.memory_space<vmem_shared>>) target_semaphore(%run_scoped3A_34 : memref<!tpu.dma_semaphore, #tpu.memory_space<semaphore_mem>>)
      %dma_wait3A_39 = arith.constant 0 : i32
      %dma_wait3A_40 = tpu.memref_slice %arg10[%mul3A_7, %dma_wait3A_39] : memref<10112x32xf32, #tpu.memory_space<vmem_shared>> -> memref<632x32xf32, #tpu.memory_space<vmem_shared>>
      %dma_wait3A_41 = arith.constant 0 : i32
      %dma_wait3A_42 = tpu.memref_slice %arg4[%mul3A_7, %dma_wait3A_41] : memref<10112x32xf32, #tpu.memory_space<hbm>> -> memref<632x32xf32, #tpu.memory_space<hbm>>
      tpu.wait_dma2 semaphore(%run_scoped3A_34 : memref<!tpu.dma_semaphore, #tpu.memory_space<semaphore_mem>>) src(%dma_wait3A_42 : memref<632x32xf32, #tpu.memory_space<hbm>>) dst(%dma_wait3A_40 : memref<632x32xf32, #tpu.memory_space<vmem_shared>>)
      tpu.yield
    }) : () -> ()
    %barrier3A = arith.constant 0 : index
    tpu.barrier barrier_id(%barrier3A)
    %dma_start3A = arith.constant 0 : i32
    %dma_start3A_8 = tpu.memref_slice %arg6[%dma_start3A] : memref<10000xi32, #tpu.memory_space<vmem>> -> memref<1000xi32, #tpu.memory_space<vmem>>
    %dma_start3A_9 = arith.constant 0 : i32
    %dma_start3A_10 = arith.constant 0 : i32
    %dma_start3A_11 = tpu.memref_slice %arg3[%dma_start3A_9, %dma_start3A_10] : memref<10000x32xf32, #tpu.memory_space<hbm>> -> memref<10000x32xf32, #tpu.memory_space<hbm>>
    tpu.enqueue_indirect_dma source(%dma_start3A_11 : memref<10000x32xf32, #tpu.memory_space<hbm>>) target(%arg8 : memref<1000x32xf32, #tpu.memory_space<vmem>>) offsets(%dma_start3A_8 : memref<1000xi32, #tpu.memory_space<vmem>>) semaphore(%arg11 : memref<!tpu.dma_semaphore, #tpu.memory_space<semaphore_mem>>)
    %dma_start3A_12 = arith.constant 1000 : i32
    %dma_start3A_13 = tpu.memref_slice %arg6[%dma_start3A_12] : memref<10000xi32, #tpu.memory_space<vmem>> -> memref<1000xi32, #tpu.memory_space<vmem>>
    %dma_start3A_14 = arith.constant 0 : i32
    %dma_start3A_15 = arith.constant 0 : i32
    %dma_start3A_16 = tpu.memref_slice %arg3[%dma_start3A_14, %dma_start3A_15] : memref<10000x32xf32, #tpu.memory_space<hbm>> -> memref<10000x32xf32, #tpu.memory_space<hbm>>
    tpu.enqueue_indirect_dma source(%dma_start3A_16 : memref<10000x32xf32, #tpu.memory_space<hbm>>) target(%arg9 : memref<1000x32xf32, #tpu.memory_space<vmem>>) offsets(%dma_start3A_13 : memref<1000xi32, #tpu.memory_space<vmem>>) semaphore(%arg12 : memref<!tpu.dma_semaphore, #tpu.memory_space<semaphore_mem>>)
    %scan3A = arith.constant 0 : i32
    %scan3A_17 = arith.constant 0 : i32
    %scan3A_18 = arith.constant 5 : i32
    %scan3A_19 = arith.addi %scan3A_17, %scan3A_18 : i32
    %scan3A_20 = arith.constant 1 : i32
    scf.for %scan3A_34 = %scan3A_17 to %scan3A_19 step %scan3A_20  : i32 {
      %mul3A_35 = arith.constant 2 : i32
      %mul3A_36 = arith.muli %scan3A_34, %mul3A_35 : i32
      %add3A_37 = arith.constant 0 : i32
      %add3A_38 = arith.addi %mul3A_36, %add3A_37 : i32
      %mul3A_39 = arith.constant 1000 : i32
      %mul3A_40 = arith.muli %add3A_38, %mul3A_39 : i32
      %dma_wait3A_41 = tpu.memref_slice %arg6[%mul3A_40] : memref<10000xi32, #tpu.memory_space<vmem>> -> memref<1000xi32, #tpu.memory_space<vmem>>
      %dma_wait3A_42 = arith.constant 0 : i32
      %dma_wait3A_43 = arith.constant 0 : i32
      %dma_wait3A_44 = tpu.memref_slice %arg3[%dma_wait3A_42, %dma_wait3A_43] : memref<10000x32xf32, #tpu.memory_space<hbm>> -> memref<10000x32xf32, #tpu.memory_space<hbm>>
      tpu.wait_indirect_dma semaphore(%arg11 : memref<!tpu.dma_semaphore, #tpu.memory_space<semaphore_mem>>) src(%dma_wait3A_44 : memref<10000x32xf32, #tpu.memory_space<hbm>>) dst(%arg8 : memref<1000x32xf32, #tpu.memory_space<vmem>>)
      %mul3A_45 = arith.constant 1000 : i32
      %mul3A_46 = arith.muli %add3A_38, %mul3A_45 : i32
      %dma_start3A_47 = tpu.memref_slice %arg7[%mul3A_46] : memref<10000xi32, #tpu.memory_space<vmem>> -> memref<1000xi32, #tpu.memory_space<vmem>>
      %dma_start3A_48 = arith.constant 0 : i32
      %dma_start3A_49 = arith.constant 0 : i32
      %dma_start3A_50 = tpu.memref_slice %arg10[%dma_start3A_48, %dma_start3A_49] : memref<10112x32xf32, #tpu.memory_space<vmem_shared>> -> memref<10112x32xf32, #tpu.memory_space<vmem_shared>>
      tpu.enqueue_indirect_dma source(%arg8 : memref<1000x32xf32, #tpu.memory_space<vmem>>) target(%dma_start3A_50 : memref<10112x32xf32, #tpu.memory_space<vmem_shared>>) offsets(%dma_start3A_47 : memref<1000xi32, #tpu.memory_space<vmem>>) semaphore(%arg13 : memref<!tpu.dma_semaphore, #tpu.memory_space<semaphore_mem>>) {add = true}
      %add3A_51 = arith.constant 1 : i32
      %add3A_52 = arith.addi %mul3A_36, %add3A_51 : i32
      %mul3A_53 = arith.constant 1000 : i32
      %mul3A_54 = arith.muli %add3A_52, %mul3A_53 : i32
      %dma_wait3A_55 = tpu.memref_slice %arg6[%mul3A_54] : memref<10000xi32, #tpu.memory_space<vmem>> -> memref<1000xi32, #tpu.memory_space<vmem>>
      %dma_wait3A_56 = arith.constant 0 : i32
      %dma_wait3A_57 = arith.constant 0 : i32
      %dma_wait3A_58 = tpu.memref_slice %arg3[%dma_wait3A_56, %dma_wait3A_57] : memref<10000x32xf32, #tpu.memory_space<hbm>> -> memref<10000x32xf32, #tpu.memory_space<hbm>>
      tpu.wait_indirect_dma semaphore(%arg12 : memref<!tpu.dma_semaphore, #tpu.memory_space<semaphore_mem>>) src(%dma_wait3A_58 : memref<10000x32xf32, #tpu.memory_space<hbm>>) dst(%arg9 : memref<1000x32xf32, #tpu.memory_space<vmem>>)
      %mul3A_59 = arith.constant 1000 : i32
      %mul3A_60 = arith.muli %add3A_52, %mul3A_59 : i32
      %dma_start3A_61 = tpu.memref_slice %arg7[%mul3A_60] : memref<10000xi32, #tpu.memory_space<vmem>> -> memref<1000xi32, #tpu.memory_space<vmem>>
      %dma_start3A_62 = arith.constant 0 : i32
      %dma_start3A_63 = arith.constant 0 : i32
      %dma_start3A_64 = tpu.memref_slice %arg10[%dma_start3A_62, %dma_start3A_63] : memref<10112x32xf32, #tpu.memory_space<vmem_shared>> -> memref<10112x32xf32, #tpu.memory_space<vmem_shared>>
      tpu.enqueue_indirect_dma source(%arg9 : memref<1000x32xf32, #tpu.memory_space<vmem>>) target(%dma_start3A_64 : memref<10112x32xf32, #tpu.memory_space<vmem_shared>>) offsets(%dma_start3A_61 : memref<1000xi32, #tpu.memory_space<vmem>>) semaphore(%arg14 : memref<!tpu.dma_semaphore, #tpu.memory_space<semaphore_mem>>) {add = true}
      %add3A_65 = arith.constant 0 : i32
      %add3A_66 = arith.addi %mul3A_36, %add3A_65 : i32
      %add3A_67 = arith.constant 2 : i32
      %add3A_68 = arith.addi %add3A_66, %add3A_67 : i32
      %lt3A = arith.constant 10 : i32
      %lt3A_69 = arith.cmpi slt, %add3A_68, %lt3A : i32
      %convert_element_type3A = arith.extui %lt3A_69 : i1 to i32
      %cond3A = arith.constant 0 : i32
      %cond3A_70 = arith.cmpi ne, %convert_element_type3A, %cond3A : i32
      scf.if %cond3A_70 {
        %mul3A_80 = arith.constant 1000 : i32
        %mul3A_81 = arith.muli %add3A_66, %mul3A_80 : i32
        %dma_wait3A_82 = tpu.memref_slice %arg7[%mul3A_81] : memref<10000xi32, #tpu.memory_space<vmem>> -> memref<1000xi32, #tpu.memory_space<vmem>>
        %dma_wait3A_83 = arith.constant 0 : i32
        %dma_wait3A_84 = arith.constant 0 : i32
        %dma_wait3A_85 = tpu.memref_slice %arg10[%dma_wait3A_83, %dma_wait3A_84] : memref<10112x32xf32, #tpu.memory_space<vmem_shared>> -> memref<10112x32xf32, #tpu.memory_space<vmem_shared>>
        tpu.wait_indirect_dma semaphore(%arg13 : memref<!tpu.dma_semaphore, #tpu.memory_space<semaphore_mem>>) src(%arg8 : memref<1000x32xf32, #tpu.memory_space<vmem>>) dst(%dma_wait3A_85 : memref<10112x32xf32, #tpu.memory_space<vmem_shared>>)
        %add3A_86 = arith.constant 2 : i32
        %add3A_87 = arith.addi %add3A_66, %add3A_86 : i32
        %mul3A_88 = arith.constant 1000 : i32
        %mul3A_89 = arith.muli %add3A_87, %mul3A_88 : i32
        %dma_start3A_90 = tpu.memref_slice %arg6[%mul3A_89] : memref<10000xi32, #tpu.memory_space<vmem>> -> memref<1000xi32, #tpu.memory_space<vmem>>
        %dma_start3A_91 = arith.constant 0 : i32
        %dma_start3A_92 = arith.constant 0 : i32
        %dma_start3A_93 = tpu.memref_slice %arg3[%dma_start3A_91, %dma_start3A_92] : memref<10000x32xf32, #tpu.memory_space<hbm>> -> memref<10000x32xf32, #tpu.memory_space<hbm>>
        tpu.enqueue_indirect_dma source(%dma_start3A_93 : memref<10000x32xf32, #tpu.memory_space<hbm>>) target(%arg8 : memref<1000x32xf32, #tpu.memory_space<vmem>>) offsets(%dma_start3A_90 : memref<1000xi32, #tpu.memory_space<vmem>>) semaphore(%arg11 : memref<!tpu.dma_semaphore, #tpu.memory_space<semaphore_mem>>)
      } else {
      }
      %add3A_71 = arith.constant 1 : i32
      %add3A_72 = arith.addi %mul3A_36, %add3A_71 : i32
      %add3A_73 = arith.constant 2 : i32
      %add3A_74 = arith.addi %add3A_72, %add3A_73 : i32
      %lt3A_75 = arith.constant 10 : i32
      %lt3A_76 = arith.cmpi slt, %add3A_74, %lt3A_75 : i32
      %convert_element_type3A_77 = arith.extui %lt3A_76 : i1 to i32
      %cond3A_78 = arith.constant 0 : i32
      %cond3A_79 = arith.cmpi ne, %convert_element_type3A_77, %cond3A_78 : i32
      scf.if %cond3A_79 {
        %mul3A_80 = arith.constant 1000 : i32
        %mul3A_81 = arith.muli %add3A_72, %mul3A_80 : i32
        %dma_wait3A_82 = tpu.memref_slice %arg7[%mul3A_81] : memref<10000xi32, #tpu.memory_space<vmem>> -> memref<1000xi32, #tpu.memory_space<vmem>>
        %dma_wait3A_83 = arith.constant 0 : i32
        %dma_wait3A_84 = arith.constant 0 : i32
        %dma_wait3A_85 = tpu.memref_slice %arg10[%dma_wait3A_83, %dma_wait3A_84] : memref<10112x32xf32, #tpu.memory_space<vmem_shared>> -> memref<10112x32xf32, #tpu.memory_space<vmem_shared>>
        tpu.wait_indirect_dma semaphore(%arg14 : memref<!tpu.dma_semaphore, #tpu.memory_space<semaphore_mem>>) src(%arg9 : memref<1000x32xf32, #tpu.memory_space<vmem>>) dst(%dma_wait3A_85 : memref<10112x32xf32, #tpu.memory_space<vmem_shared>>)
        %add3A_86 = arith.constant 2 : i32
        %add3A_87 = arith.addi %add3A_72, %add3A_86 : i32
        %mul3A_88 = arith.constant 1000 : i32
        %mul3A_89 = arith.muli %add3A_87, %mul3A_88 : i32
        %dma_start3A_90 = tpu.memref_slice %arg6[%mul3A_89] : memref<10000xi32, #tpu.memory_space<vmem>> -> memref<1000xi32, #tpu.memory_space<vmem>>
        %dma_start3A_91 = arith.constant 0 : i32
        %dma_start3A_92 = arith.constant 0 : i32
        %dma_start3A_93 = tpu.memref_slice %arg3[%dma_start3A_91, %dma_start3A_92] : memref<10000x32xf32, #tpu.memory_space<hbm>> -> memref<10000x32xf32, #tpu.memory_space<hbm>>
        tpu.enqueue_indirect_dma source(%dma_start3A_93 : memref<10000x32xf32, #tpu.memory_space<hbm>>) target(%arg9 : memref<1000x32xf32, #tpu.memory_space<vmem>>) offsets(%dma_start3A_90 : memref<1000xi32, #tpu.memory_space<vmem>>) semaphore(%arg12 : memref<!tpu.dma_semaphore, #tpu.memory_space<semaphore_mem>>)
      } else {
      }
    }
    %scan3A_21 = arith.constant 5 : i32
    %dma_wait3A = arith.constant 8000 : i32
    %dma_wait3A_22 = tpu.memref_slice %arg7[%dma_wait3A] : memref<10000xi32, #tpu.memory_space<vmem>> -> memref<1000xi32, #tpu.memory_space<vmem>>
    %dma_wait3A_23 = arith.constant 0 : i32
    %dma_wait3A_24 = arith.constant 0 : i32
    %dma_wait3A_25 = tpu.memref_slice %arg10[%dma_wait3A_23, %dma_wait3A_24] : memref<10112x32xf32, #tpu.memory_space<vmem_shared>> -> memref<10112x32xf32, #tpu.memory_space<vmem_shared>>
    tpu.wait_indirect_dma semaphore(%arg13 : memref<!tpu.dma_semaphore, #tpu.memory_space<semaphore_mem>>) src(%arg8 : memref<1000x32xf32, #tpu.memory_space<vmem>>) dst(%dma_wait3A_25 : memref<10112x32xf32, #tpu.memory_space<vmem_shared>>)
    %dma_wait3A_26 = arith.constant 9000 : i32
    %dma_wait3A_27 = tpu.memref_slice %arg7[%dma_wait3A_26] : memref<10000xi32, #tpu.memory_space<vmem>> -> memref<1000xi32, #tpu.memory_space<vmem>>
    %dma_wait3A_28 = arith.constant 0 : i32
    %dma_wait3A_29 = arith.constant 0 : i32
    %dma_wait3A_30 = tpu.memref_slice %arg10[%dma_wait3A_28, %dma_wait3A_29] : memref<10112x32xf32, #tpu.memory_space<vmem_shared>> -> memref<10112x32xf32, #tpu.memory_space<vmem_shared>>
    tpu.wait_indirect_dma semaphore(%arg14 : memref<!tpu.dma_semaphore, #tpu.memory_space<semaphore_mem>>) src(%arg9 : memref<1000x32xf32, #tpu.memory_space<vmem>>) dst(%dma_wait3A_30 : memref<10112x32xf32, #tpu.memory_space<vmem_shared>>)
    %barrier3A_31 = arith.constant 0 : index
    tpu.barrier barrier_id(%barrier3A_31)
    %mul3A_32 = arith.constant 32 : i32
    %mul3A_33 = arith.muli %arg0, %mul3A_32 : i32
    "tpu.region"() ({
      %run_scoped3A_34 = tpu.sem_alloc : memref<!tpu.dma_semaphore, #tpu.memory_space<semaphore_mem>>
      %dma_start3A_35 = tpu.memref_slice %arg5[%mul3A_7, %mul3A_33] : memref<10112x128xf32, #tpu.memory_space<hbm>> -> memref<632x32xf32, #tpu.memory_space<hbm>>
      %dma_start3A_36 = arith.constant 0 : i32
      %dma_start3A_37 = tpu.memref_slice %arg10[%mul3A_7, %dma_start3A_36] : memref<10112x32xf32, #tpu.memory_space<vmem_shared>> -> memref<632x32xf32, #tpu.memory_space<vmem_shared>>
      tpu.enqueue_dma source(%dma_start3A_37 : memref<632x32xf32, #tpu.memory_space<vmem_shared>>) target(%dma_start3A_35 : memref<632x32xf32, #tpu.memory_space<hbm>>) target_semaphore(%run_scoped3A_34 : memref<!tpu.dma_semaphore, #tpu.memory_space<semaphore_mem>>)
      %dma_wait3A_38 = tpu.memref_slice %arg5[%mul3A_7, %mul3A_33] : memref<10112x128xf32, #tpu.memory_space<hbm>> -> memref<632x32xf32, #tpu.memory_space<hbm>>
      %dma_wait3A_39 = arith.constant 0 : i32
      %dma_wait3A_40 = tpu.memref_slice %arg10[%mul3A_7, %dma_wait3A_39] : memref<10112x32xf32, #tpu.memory_space<vmem_shared>> -> memref<632x32xf32, #tpu.memory_space<vmem_shared>>
      tpu.wait_dma2 semaphore(%run_scoped3A_34 : memref<!tpu.dma_semaphore, #tpu.memory_space<semaphore_mem>>) src(%dma_wait3A_40 : memref<632x32xf32, #tpu.memory_space<vmem_shared>>) dst(%dma_wait3A_38 : memref<632x32xf32, #tpu.memory_space<hbm>>)
      tpu.yield
    }) : () -> ()
    return
  }
}

#map = affine_map<(d0, d1) -> (0, 0)>
module attributes {stable_mosaic.version = 14 : i64} {
  func.func @_deg_kernel(%arg0: i32, %arg1: i32, %arg2: memref<2x320000xi32, #tpu.memory_space<hbm>>, %arg3: memref<1000x8xf32, #tpu.memory_space<hbm>>, %arg4: memref<10112x8xf32, #tpu.memory_space<hbm>>, %arg5: memref<10112x128xf32, #tpu.memory_space<hbm>>, %arg6: memref<10000xi32, #tpu.memory_space<vmem>>, %arg7: memref<1000x8xf32, #tpu.memory_space<vmem>>, %arg8: memref<10112x8xf32, #tpu.memory_space<vmem_shared>>, %arg9: memref<!tpu.dma_semaphore, #tpu.memory_space<semaphore_mem>>) attributes {dimension_semantics = [#tpu.dimension_semantics<core_parallel>, #tpu.dimension_semantics<subcore_parallel>], iteration_bounds = array<i64: 2, 16>, scalar_prefetch = 0 : i64, scratch_operands = 4 : i64, tpu.core_type = #tpu.core_type<sc_vector_subcore>, window_params = [{transform_indices = #map}, {transform_indices = #map}, {transform_indices = #map}, {transform_indices = #map}]} {
    %mul3A = arith.constant 16 : i32
    %mul3A_0 = arith.muli %arg0, %mul3A : i32
    %add3A = arith.addi %mul3A_0, %arg1 : i32
    %mul3A_1 = arith.constant 10000 : i32
    %mul3A_2 = arith.muli %add3A, %mul3A_1 : i32
    %run_scoped3A = arith.constant 1 : i32
    "tpu.region"() ({
      %run_scoped3A_19 = tpu.sem_alloc : memref<!tpu.dma_semaphore, #tpu.memory_space<semaphore_mem>>
      %dma_start3A = tpu.memref_slice %arg2[%run_scoped3A, %mul3A_2] : memref<2x320000xi32, #tpu.memory_space<hbm>> -> memref<1x10000xi32, #tpu.memory_space<hbm>>
      %dma_start3A_20 = tpu.memref_squeeze %dma_start3A : memref<1x10000xi32, #tpu.memory_space<hbm>> -> memref<10000xi32, #tpu.memory_space<hbm>>
      %dma_start3A_21 = tpu.memref_slice %arg2[%run_scoped3A, %mul3A_2] : memref<2x320000xi32, #tpu.memory_space<hbm>> -> memref<1x10000xi32, #tpu.memory_space<hbm>>
      %dma_start3A_22 = tpu.memref_squeeze %dma_start3A_21 : memref<1x10000xi32, #tpu.memory_space<hbm>> -> memref<10000xi32, #tpu.memory_space<hbm>>
      tpu.enqueue_dma source(%dma_start3A_22 : memref<10000xi32, #tpu.memory_space<hbm>>) target(%arg6 : memref<10000xi32, #tpu.memory_space<vmem>>) target_semaphore(%run_scoped3A_19 : memref<!tpu.dma_semaphore, #tpu.memory_space<semaphore_mem>>)
      %dma_wait3A = tpu.memref_slice %arg2[%run_scoped3A, %mul3A_2] : memref<2x320000xi32, #tpu.memory_space<hbm>> -> memref<1x10000xi32, #tpu.memory_space<hbm>>
      %dma_wait3A_23 = tpu.memref_squeeze %dma_wait3A : memref<1x10000xi32, #tpu.memory_space<hbm>> -> memref<10000xi32, #tpu.memory_space<hbm>>
      %dma_wait3A_24 = tpu.memref_slice %arg2[%run_scoped3A, %mul3A_2] : memref<2x320000xi32, #tpu.memory_space<hbm>> -> memref<1x10000xi32, #tpu.memory_space<hbm>>
      %dma_wait3A_25 = tpu.memref_squeeze %dma_wait3A_24 : memref<1x10000xi32, #tpu.memory_space<hbm>> -> memref<10000xi32, #tpu.memory_space<hbm>>
      tpu.wait_dma2 semaphore(%run_scoped3A_19 : memref<!tpu.dma_semaphore, #tpu.memory_space<semaphore_mem>>) src(%dma_wait3A_25 : memref<10000xi32, #tpu.memory_space<hbm>>) dst(%arg6 : memref<10000xi32, #tpu.memory_space<vmem>>)
      tpu.yield
    }) : () -> ()
    "tpu.region"() ({
      %run_scoped3A_19 = tpu.sem_alloc : memref<!tpu.dma_semaphore, #tpu.memory_space<semaphore_mem>>
      tpu.enqueue_dma source(%arg3 : memref<1000x8xf32, #tpu.memory_space<hbm>>) target(%arg7 : memref<1000x8xf32, #tpu.memory_space<vmem>>) target_semaphore(%run_scoped3A_19 : memref<!tpu.dma_semaphore, #tpu.memory_space<semaphore_mem>>)
      tpu.wait_dma2 semaphore(%run_scoped3A_19 : memref<!tpu.dma_semaphore, #tpu.memory_space<semaphore_mem>>) src(%arg3 : memref<1000x8xf32, #tpu.memory_space<hbm>>) dst(%arg7 : memref<1000x8xf32, #tpu.memory_space<vmem>>)
      tpu.yield
    }) : () -> ()
    %mul3A_3 = arith.constant 632 : i32
    %mul3A_4 = arith.muli %arg1, %mul3A_3 : i32
    "tpu.region"() ({
      %run_scoped3A_19 = tpu.sem_alloc : memref<!tpu.dma_semaphore, #tpu.memory_space<semaphore_mem>>
      %dma_start3A = arith.constant 0 : i32
      %dma_start3A_20 = tpu.memref_slice %arg8[%mul3A_4, %dma_start3A] : memref<10112x8xf32, #tpu.memory_space<vmem_shared>> -> memref<632x8xf32, #tpu.memory_space<vmem_shared>>
      %dma_start3A_21 = arith.constant 0 : i32
      %dma_start3A_22 = tpu.memref_slice %arg4[%mul3A_4, %dma_start3A_21] : memref<10112x8xf32, #tpu.memory_space<hbm>> -> memref<632x8xf32, #tpu.memory_space<hbm>>
      tpu.enqueue_dma source(%dma_start3A_22 : memref<632x8xf32, #tpu.memory_space<hbm>>) target(%dma_start3A_20 : memref<632x8xf32, #tpu.memory_space<vmem_shared>>) target_semaphore(%run_scoped3A_19 : memref<!tpu.dma_semaphore, #tpu.memory_space<semaphore_mem>>)
      %dma_wait3A = arith.constant 0 : i32
      %dma_wait3A_23 = tpu.memref_slice %arg8[%mul3A_4, %dma_wait3A] : memref<10112x8xf32, #tpu.memory_space<vmem_shared>> -> memref<632x8xf32, #tpu.memory_space<vmem_shared>>
      %dma_wait3A_24 = arith.constant 0 : i32
      %dma_wait3A_25 = tpu.memref_slice %arg4[%mul3A_4, %dma_wait3A_24] : memref<10112x8xf32, #tpu.memory_space<hbm>> -> memref<632x8xf32, #tpu.memory_space<hbm>>
      tpu.wait_dma2 semaphore(%run_scoped3A_19 : memref<!tpu.dma_semaphore, #tpu.memory_space<semaphore_mem>>) src(%dma_wait3A_25 : memref<632x8xf32, #tpu.memory_space<hbm>>) dst(%dma_wait3A_23 : memref<632x8xf32, #tpu.memory_space<vmem_shared>>)
      tpu.yield
    }) : () -> ()
    %barrier3A = arith.constant 0 : index
    tpu.barrier barrier_id(%barrier3A)
    %scan3A = arith.constant 0 : i32
    %scan3A_5 = arith.constant 0 : i32
    %scan3A_6 = arith.constant 10 : i32
    %scan3A_7 = arith.addi %scan3A_5, %scan3A_6 : i32
    %scan3A_8 = arith.constant 1 : i32
    scf.for %scan3A_19 = %scan3A_5 to %scan3A_7 step %scan3A_8  : i32 {
      %mul3A_20 = arith.constant 1000 : i32
      %mul3A_21 = arith.muli %scan3A_19, %mul3A_20 : i32
      %dma_start3A = tpu.memref_slice %arg6[%mul3A_21] : memref<10000xi32, #tpu.memory_space<vmem>> -> memref<1000xi32, #tpu.memory_space<vmem>>
      %dma_start3A_22 = arith.constant 0 : i32
      %dma_start3A_23 = arith.constant 0 : i32
      %dma_start3A_24 = tpu.memref_slice %arg8[%dma_start3A_22, %dma_start3A_23] : memref<10112x8xf32, #tpu.memory_space<vmem_shared>> -> memref<10112x8xf32, #tpu.memory_space<vmem_shared>>
      tpu.enqueue_indirect_dma source(%arg7 : memref<1000x8xf32, #tpu.memory_space<vmem>>) target(%dma_start3A_24 : memref<10112x8xf32, #tpu.memory_space<vmem_shared>>) offsets(%dma_start3A : memref<1000xi32, #tpu.memory_space<vmem>>) semaphore(%arg9 : memref<!tpu.dma_semaphore, #tpu.memory_space<semaphore_mem>>) {add = true}
    }
    %scan3A_9 = arith.constant 10 : i32
    %scan3A_10 = arith.constant 0 : i32
    %scan3A_11 = arith.constant 0 : i32
    %scan3A_12 = arith.constant 10 : i32
    %scan3A_13 = arith.addi %scan3A_11, %scan3A_12 : i32
    %scan3A_14 = arith.constant 1 : i32
    scf.for %scan3A_19 = %scan3A_11 to %scan3A_13 step %scan3A_14  : i32 {
      %dma_wait3A = arith.constant 0 : i32
      %dma_wait3A_20 = tpu.memref_slice %arg6[%dma_wait3A] : memref<10000xi32, #tpu.memory_space<vmem>> -> memref<1000xi32, #tpu.memory_space<vmem>>
      %dma_wait3A_21 = arith.constant 0 : i32
      %dma_wait3A_22 = arith.constant 0 : i32
      %dma_wait3A_23 = tpu.memref_slice %arg8[%dma_wait3A_21, %dma_wait3A_22] : memref<10112x8xf32, #tpu.memory_space<vmem_shared>> -> memref<10112x8xf32, #tpu.memory_space<vmem_shared>>
      tpu.wait_indirect_dma semaphore(%arg9 : memref<!tpu.dma_semaphore, #tpu.memory_space<semaphore_mem>>) src(%arg7 : memref<1000x8xf32, #tpu.memory_space<vmem>>) dst(%dma_wait3A_23 : memref<10112x8xf32, #tpu.memory_space<vmem_shared>>)
    }
    %scan3A_15 = arith.constant 10 : i32
    %barrier3A_16 = arith.constant 0 : index
    tpu.barrier barrier_id(%barrier3A_16)
    %mul3A_17 = arith.constant 8 : i32
    %mul3A_18 = arith.muli %arg0, %mul3A_17 : i32
    "tpu.region"() ({
      %run_scoped3A_19 = tpu.sem_alloc : memref<!tpu.dma_semaphore, #tpu.memory_space<semaphore_mem>>
      %dma_start3A = tpu.memref_slice %arg5[%mul3A_4, %mul3A_18] : memref<10112x128xf32, #tpu.memory_space<hbm>> -> memref<632x8xf32, #tpu.memory_space<hbm>>
      %dma_start3A_20 = arith.constant 0 : i32
      %dma_start3A_21 = tpu.memref_slice %arg8[%mul3A_4, %dma_start3A_20] : memref<10112x8xf32, #tpu.memory_space<vmem_shared>> -> memref<632x8xf32, #tpu.memory_space<vmem_shared>>
      tpu.enqueue_dma source(%dma_start3A_21 : memref<632x8xf32, #tpu.memory_space<vmem_shared>>) target(%dma_start3A : memref<632x8xf32, #tpu.memory_space<hbm>>) target_semaphore(%run_scoped3A_19 : memref<!tpu.dma_semaphore, #tpu.memory_space<semaphore_mem>>)
      %dma_wait3A = tpu.memref_slice %arg5[%mul3A_4, %mul3A_18] : memref<10112x128xf32, #tpu.memory_space<hbm>> -> memref<632x8xf32, #tpu.memory_space<hbm>>
      %dma_wait3A_22 = arith.constant 0 : i32
      %dma_wait3A_23 = tpu.memref_slice %arg8[%mul3A_4, %dma_wait3A_22] : memref<10112x8xf32, #tpu.memory_space<vmem_shared>> -> memref<632x8xf32, #tpu.memory_space<vmem_shared>>
      tpu.wait_dma2 semaphore(%run_scoped3A_19 : memref<!tpu.dma_semaphore, #tpu.memory_space<semaphore_mem>>) src(%dma_wait3A_23 : memref<632x8xf32, #tpu.memory_space<vmem_shared>>) dst(%dma_wait3A : memref<632x8xf32, #tpu.memory_space<hbm>>)
      tpu.yield
    }) : () -> ()
    return
  }
}

#map = affine_map<(d0, d1) -> (0, 0)>
module attributes {stable_mosaic.version = 14 : i64} {
  func.func @_scat(%arg0: i32, %arg1: i32, %arg2: memref<2x320000xi32, #tpu.memory_space<hbm>>, %arg3: memref<10000x128xf32, #tpu.memory_space<hbm>>, %arg4: memref<10112x16xf32, #tpu.memory_space<hbm>>, %arg5: memref<10112x128xf32, #tpu.memory_space<hbm>>, %arg6: memref<10000xi32, #tpu.memory_space<vmem>>, %arg7: memref<10000xi32, #tpu.memory_space<vmem>>, %arg8: memref<1000x16xf32, #tpu.memory_space<vmem>>, %arg9: memref<1000x16xf32, #tpu.memory_space<vmem>>, %arg10: memref<640x16xf32, #tpu.memory_space<vmem>>, %arg11: memref<10000x16xf32, #tpu.memory_space<vmem_shared>>, %arg12: memref<10112x16xf32, #tpu.memory_space<vmem_shared>>, %arg13: memref<!tpu.dma_semaphore, #tpu.memory_space<semaphore_mem>>, %arg14: memref<!tpu.dma_semaphore, #tpu.memory_space<semaphore_mem>>, %arg15: memref<!tpu.dma_semaphore, #tpu.memory_space<semaphore_mem>>, %arg16: memref<!tpu.dma_semaphore, #tpu.memory_space<semaphore_mem>>) attributes {dimension_semantics = [#tpu.dimension_semantics<core_parallel>, #tpu.dimension_semantics<subcore_parallel>], iteration_bounds = array<i64: 2, 16>, scalar_prefetch = 0 : i64, scratch_operands = 11 : i64, tpu.core_type = #tpu.core_type<sc_vector_subcore>, window_params = [{transform_indices = #map}, {transform_indices = #map}, {transform_indices = #map}, {transform_indices = #map}]} {
    %mul3A = arith.constant 16 : i32
    %mul3A_0 = arith.muli %arg0, %mul3A : i32
    %add3A = arith.addi %mul3A_0, %arg1 : i32
    %mul3A_1 = arith.constant 10000 : i32
    %mul3A_2 = arith.muli %add3A, %mul3A_1 : i32
    %run_scoped3A = arith.constant 0 : i32
    "tpu.region"() ({
      %run_scoped3A_42 = tpu.sem_alloc : memref<!tpu.dma_semaphore, #tpu.memory_space<semaphore_mem>>
      %dma_start3A_43 = tpu.memref_slice %arg2[%run_scoped3A, %mul3A_2] : memref<2x320000xi32, #tpu.memory_space<hbm>> -> memref<1x10000xi32, #tpu.memory_space<hbm>>
      %dma_start3A_44 = tpu.memref_squeeze %dma_start3A_43 : memref<1x10000xi32, #tpu.memory_space<hbm>> -> memref<10000xi32, #tpu.memory_space<hbm>>
      %dma_start3A_45 = tpu.memref_slice %arg2[%run_scoped3A, %mul3A_2] : memref<2x320000xi32, #tpu.memory_space<hbm>> -> memref<1x10000xi32, #tpu.memory_space<hbm>>
      %dma_start3A_46 = tpu.memref_squeeze %dma_start3A_45 : memref<1x10000xi32, #tpu.memory_space<hbm>> -> memref<10000xi32, #tpu.memory_space<hbm>>
      tpu.enqueue_dma source(%dma_start3A_46 : memref<10000xi32, #tpu.memory_space<hbm>>) target(%arg6 : memref<10000xi32, #tpu.memory_space<vmem>>) target_semaphore(%run_scoped3A_42 : memref<!tpu.dma_semaphore, #tpu.memory_space<semaphore_mem>>)
      %dma_wait3A_47 = tpu.memref_slice %arg2[%run_scoped3A, %mul3A_2] : memref<2x320000xi32, #tpu.memory_space<hbm>> -> memref<1x10000xi32, #tpu.memory_space<hbm>>
      %dma_wait3A_48 = tpu.memref_squeeze %dma_wait3A_47 : memref<1x10000xi32, #tpu.memory_space<hbm>> -> memref<10000xi32, #tpu.memory_space<hbm>>
      %dma_wait3A_49 = tpu.memref_slice %arg2[%run_scoped3A, %mul3A_2] : memref<2x320000xi32, #tpu.memory_space<hbm>> -> memref<1x10000xi32, #tpu.memory_space<hbm>>
      %dma_wait3A_50 = tpu.memref_squeeze %dma_wait3A_49 : memref<1x10000xi32, #tpu.memory_space<hbm>> -> memref<10000xi32, #tpu.memory_space<hbm>>
      tpu.wait_dma2 semaphore(%run_scoped3A_42 : memref<!tpu.dma_semaphore, #tpu.memory_space<semaphore_mem>>) src(%dma_wait3A_50 : memref<10000xi32, #tpu.memory_space<hbm>>) dst(%arg6 : memref<10000xi32, #tpu.memory_space<vmem>>)
      tpu.yield
    }) : () -> ()
    %mul3A_3 = arith.constant 10000 : i32
    %mul3A_4 = arith.muli %add3A, %mul3A_3 : i32
    %run_scoped3A_5 = arith.constant 1 : i32
    "tpu.region"() ({
      %run_scoped3A_42 = tpu.sem_alloc : memref<!tpu.dma_semaphore, #tpu.memory_space<semaphore_mem>>
      %dma_start3A_43 = tpu.memref_slice %arg2[%run_scoped3A_5, %mul3A_4] : memref<2x320000xi32, #tpu.memory_space<hbm>> -> memref<1x10000xi32, #tpu.memory_space<hbm>>
      %dma_start3A_44 = tpu.memref_squeeze %dma_start3A_43 : memref<1x10000xi32, #tpu.memory_space<hbm>> -> memref<10000xi32, #tpu.memory_space<hbm>>
      %dma_start3A_45 = tpu.memref_slice %arg2[%run_scoped3A_5, %mul3A_4] : memref<2x320000xi32, #tpu.memory_space<hbm>> -> memref<1x10000xi32, #tpu.memory_space<hbm>>
      %dma_start3A_46 = tpu.memref_squeeze %dma_start3A_45 : memref<1x10000xi32, #tpu.memory_space<hbm>> -> memref<10000xi32, #tpu.memory_space<hbm>>
      tpu.enqueue_dma source(%dma_start3A_46 : memref<10000xi32, #tpu.memory_space<hbm>>) target(%arg7 : memref<10000xi32, #tpu.memory_space<vmem>>) target_semaphore(%run_scoped3A_42 : memref<!tpu.dma_semaphore, #tpu.memory_space<semaphore_mem>>)
      %dma_wait3A_47 = tpu.memref_slice %arg2[%run_scoped3A_5, %mul3A_4] : memref<2x320000xi32, #tpu.memory_space<hbm>> -> memref<1x10000xi32, #tpu.memory_space<hbm>>
      %dma_wait3A_48 = tpu.memref_squeeze %dma_wait3A_47 : memref<1x10000xi32, #tpu.memory_space<hbm>> -> memref<10000xi32, #tpu.memory_space<hbm>>
      %dma_wait3A_49 = tpu.memref_slice %arg2[%run_scoped3A_5, %mul3A_4] : memref<2x320000xi32, #tpu.memory_space<hbm>> -> memref<1x10000xi32, #tpu.memory_space<hbm>>
      %dma_wait3A_50 = tpu.memref_squeeze %dma_wait3A_49 : memref<1x10000xi32, #tpu.memory_space<hbm>> -> memref<10000xi32, #tpu.memory_space<hbm>>
      tpu.wait_dma2 semaphore(%run_scoped3A_42 : memref<!tpu.dma_semaphore, #tpu.memory_space<semaphore_mem>>) src(%dma_wait3A_50 : memref<10000xi32, #tpu.memory_space<hbm>>) dst(%arg7 : memref<10000xi32, #tpu.memory_space<vmem>>)
      tpu.yield
    }) : () -> ()
    %mul3A_6 = arith.constant 632 : i32
    %mul3A_7 = arith.muli %arg1, %mul3A_6 : i32
    "tpu.region"() ({
      %run_scoped3A_42 = tpu.sem_alloc : memref<!tpu.dma_semaphore, #tpu.memory_space<semaphore_mem>>
      %dma_start3A_43 = arith.constant 0 : i32
      %dma_start3A_44 = tpu.memref_slice %arg12[%mul3A_7, %dma_start3A_43] : memref<10112x16xf32, #tpu.memory_space<vmem_shared>> -> memref<632x16xf32, #tpu.memory_space<vmem_shared>>
      %dma_start3A_45 = arith.constant 0 : i32
      %dma_start3A_46 = tpu.memref_slice %arg4[%mul3A_7, %dma_start3A_45] : memref<10112x16xf32, #tpu.memory_space<hbm>> -> memref<632x16xf32, #tpu.memory_space<hbm>>
      tpu.enqueue_dma source(%dma_start3A_46 : memref<632x16xf32, #tpu.memory_space<hbm>>) target(%dma_start3A_44 : memref<632x16xf32, #tpu.memory_space<vmem_shared>>) target_semaphore(%run_scoped3A_42 : memref<!tpu.dma_semaphore, #tpu.memory_space<semaphore_mem>>)
      %dma_wait3A_47 = arith.constant 0 : i32
      %dma_wait3A_48 = tpu.memref_slice %arg12[%mul3A_7, %dma_wait3A_47] : memref<10112x16xf32, #tpu.memory_space<vmem_shared>> -> memref<632x16xf32, #tpu.memory_space<vmem_shared>>
      %dma_wait3A_49 = arith.constant 0 : i32
      %dma_wait3A_50 = tpu.memref_slice %arg4[%mul3A_7, %dma_wait3A_49] : memref<10112x16xf32, #tpu.memory_space<hbm>> -> memref<632x16xf32, #tpu.memory_space<hbm>>
      tpu.wait_dma2 semaphore(%run_scoped3A_42 : memref<!tpu.dma_semaphore, #tpu.memory_space<semaphore_mem>>) src(%dma_wait3A_50 : memref<632x16xf32, #tpu.memory_space<hbm>>) dst(%dma_wait3A_48 : memref<632x16xf32, #tpu.memory_space<vmem_shared>>)
      tpu.yield
    }) : () -> ()
    %mul3A_8 = arith.constant 640 : i32
    %mul3A_9 = arith.muli %arg1, %mul3A_8 : i32
    %lt3A = arith.constant 15 : i32
    %lt3A_10 = arith.cmpi slt, %arg1, %lt3A : i32
    %convert_element_type3A = arith.extui %lt3A_10 : i1 to i32
    %cond3A = arith.constant 0 : i32
    %cond3A_11 = arith.cmpi ne, %convert_element_type3A, %cond3A : i32
    scf.if %cond3A_11 {
      "tpu.region"() ({
        %run_scoped3A_42 = tpu.sem_alloc : memref<!tpu.dma_semaphore, #tpu.memory_space<semaphore_mem>>
        %dma_start3A_43 = arith.constant 0 : i32
        %dma_start3A_44 = tpu.memref_slice %arg3[%mul3A_9, %dma_start3A_43] : memref<10000x128xf32, #tpu.memory_space<hbm>> -> memref<640x16xf32, #tpu.memory_space<hbm>>
        %dma_start3A_45 = arith.constant 0 : i32
        %dma_start3A_46 = tpu.memref_slice %arg3[%mul3A_9, %dma_start3A_45] : memref<10000x128xf32, #tpu.memory_space<hbm>> -> memref<640x16xf32, #tpu.memory_space<hbm>>
        tpu.enqueue_dma source(%dma_start3A_46 : memref<640x16xf32, #tpu.memory_space<hbm>>) target(%arg10 : memref<640x16xf32, #tpu.memory_space<vmem>>) target_semaphore(%run_scoped3A_42 : memref<!tpu.dma_semaphore, #tpu.memory_space<semaphore_mem>>)
        %dma_wait3A_47 = arith.constant 0 : i32
        %dma_wait3A_48 = tpu.memref_slice %arg3[%mul3A_9, %dma_wait3A_47] : memref<10000x128xf32, #tpu.memory_space<hbm>> -> memref<640x16xf32, #tpu.memory_space<hbm>>
        %dma_wait3A_49 = arith.constant 0 : i32
        %dma_wait3A_50 = tpu.memref_slice %arg3[%mul3A_9, %dma_wait3A_49] : memref<10000x128xf32, #tpu.memory_space<hbm>> -> memref<640x16xf32, #tpu.memory_space<hbm>>
        tpu.wait_dma2 semaphore(%run_scoped3A_42 : memref<!tpu.dma_semaphore, #tpu.memory_space<semaphore_mem>>) src(%dma_wait3A_50 : memref<640x16xf32, #tpu.memory_space<hbm>>) dst(%arg10 : memref<640x16xf32, #tpu.memory_space<vmem>>)
        tpu.yield
      }) : () -> ()
      "tpu.region"() ({
        %run_scoped3A_42 = tpu.sem_alloc : memref<!tpu.dma_semaphore, #tpu.memory_space<semaphore_mem>>
        %dma_start3A_43 = arith.constant 0 : i32
        %dma_start3A_44 = tpu.memref_slice %arg11[%mul3A_9, %dma_start3A_43] : memref<10000x16xf32, #tpu.memory_space<vmem_shared>> -> memref<640x16xf32, #tpu.memory_space<vmem_shared>>
        %dma_start3A_45 = arith.constant 0 : i32
        %dma_start3A_46 = tpu.memref_slice %arg11[%mul3A_9, %dma_start3A_45] : memref<10000x16xf32, #tpu.memory_space<vmem_shared>> -> memref<640x16xf32, #tpu.memory_space<vmem_shared>>
        tpu.enqueue_dma source(%arg10 : memref<640x16xf32, #tpu.memory_space<vmem>>) target(%dma_start3A_46 : memref<640x16xf32, #tpu.memory_space<vmem_shared>>) target_semaphore(%run_scoped3A_42 : memref<!tpu.dma_semaphore, #tpu.memory_space<semaphore_mem>>)
        %dma_wait3A_47 = arith.constant 0 : i32
        %dma_wait3A_48 = tpu.memref_slice %arg11[%mul3A_9, %dma_wait3A_47] : memref<10000x16xf32, #tpu.memory_space<vmem_shared>> -> memref<640x16xf32, #tpu.memory_space<vmem_shared>>
        %dma_wait3A_49 = arith.constant 0 : i32
        %dma_wait3A_50 = tpu.memref_slice %arg11[%mul3A_9, %dma_wait3A_49] : memref<10000x16xf32, #tpu.memory_space<vmem_shared>> -> memref<640x16xf32, #tpu.memory_space<vmem_shared>>
        tpu.wait_dma2 semaphore(%run_scoped3A_42 : memref<!tpu.dma_semaphore, #tpu.memory_space<semaphore_mem>>) src(%arg10 : memref<640x16xf32, #tpu.memory_space<vmem>>) dst(%dma_wait3A_50 : memref<640x16xf32, #tpu.memory_space<vmem_shared>>)
        tpu.yield
      }) : () -> ()
    } else {
    }
    %eq3A = arith.constant 15 : i32
    %eq3A_12 = arith.cmpi eq, %arg1, %eq3A : i32
    %convert_element_type3A_13 = arith.extui %eq3A_12 : i1 to i32
    %cond3A_14 = arith.constant 0 : i32
    %cond3A_15 = arith.cmpi ne, %convert_element_type3A_13, %cond3A_14 : i32
    scf.if %cond3A_15 {
      "tpu.region"() ({
        %run_scoped3A_42 = tpu.sem_alloc : memref<!tpu.dma_semaphore, #tpu.memory_space<semaphore_mem>>
        %dma_start3A_43 = arith.constant 0 : i32
        %dma_start3A_44 = arith.constant 0 : i32
        %dma_start3A_45 = tpu.memref_slice %arg10[%dma_start3A_43, %dma_start3A_44] : memref<640x16xf32, #tpu.memory_space<vmem>> -> memref<400x16xf32, #tpu.memory_space<vmem>>
        %dma_start3A_46 = arith.constant 9600 : i32
        %dma_start3A_47 = arith.constant 0 : i32
        %dma_start3A_48 = tpu.memref_slice %arg3[%dma_start3A_46, %dma_start3A_47] : memref<10000x128xf32, #tpu.memory_space<hbm>> -> memref<400x16xf32, #tpu.memory_space<hbm>>
        %dma_start3A_49 = arith.constant 0 : i32
        %dma_start3A_50 = arith.constant 0 : i32
        %dma_start3A_51 = tpu.memref_slice %arg10[%dma_start3A_49, %dma_start3A_50] : memref<640x16xf32, #tpu.memory_space<vmem>> -> memref<400x16xf32, #tpu.memory_space<vmem>>
        %dma_start3A_52 = arith.constant 9600 : i32
        %dma_start3A_53 = arith.constant 0 : i32
        %dma_start3A_54 = tpu.memref_slice %arg3[%dma_start3A_52, %dma_start3A_53] : memref<10000x128xf32, #tpu.memory_space<hbm>> -> memref<400x16xf32, #tpu.memory_space<hbm>>
        tpu.enqueue_dma source(%dma_start3A_54 : memref<400x16xf32, #tpu.memory_space<hbm>>) target(%dma_start3A_51 : memref<400x16xf32, #tpu.memory_space<vmem>>) target_semaphore(%run_scoped3A_42 : memref<!tpu.dma_semaphore, #tpu.memory_space<semaphore_mem>>)
        %dma_wait3A_55 = arith.constant 0 : i32
        %dma_wait3A_56 = arith.constant 0 : i32
        %dma_wait3A_57 = tpu.memref_slice %arg10[%dma_wait3A_55, %dma_wait3A_56] : memref<640x16xf32, #tpu.memory_space<vmem>> -> memref<400x16xf32, #tpu.memory_space<vmem>>
        %dma_wait3A_58 = arith.constant 9600 : i32
        %dma_wait3A_59 = arith.constant 0 : i32
        %dma_wait3A_60 = tpu.memref_slice %arg3[%dma_wait3A_58, %dma_wait3A_59] : memref<10000x128xf32, #tpu.memory_space<hbm>> -> memref<400x16xf32, #tpu.memory_space<hbm>>
        %dma_wait3A_61 = arith.constant 0 : i32
        %dma_wait3A_62 = arith.constant 0 : i32
        %dma_wait3A_63 = tpu.memref_slice %arg10[%dma_wait3A_61, %dma_wait3A_62] : memref<640x16xf32, #tpu.memory_space<vmem>> -> memref<400x16xf32, #tpu.memory_space<vmem>>
        %dma_wait3A_64 = arith.constant 9600 : i32
        %dma_wait3A_65 = arith.constant 0 : i32
        %dma_wait3A_66 = tpu.memref_slice %arg3[%dma_wait3A_64, %dma_wait3A_65] : memref<10000x128xf32, #tpu.memory_space<hbm>> -> memref<400x16xf32, #tpu.memory_space<hbm>>
        tpu.wait_dma2 semaphore(%run_scoped3A_42 : memref<!tpu.dma_semaphore, #tpu.memory_space<semaphore_mem>>) src(%dma_wait3A_66 : memref<400x16xf32, #tpu.memory_space<hbm>>) dst(%dma_wait3A_63 : memref<400x16xf32, #tpu.memory_space<vmem>>)
        tpu.yield
      }) : () -> ()
      "tpu.region"() ({
        %run_scoped3A_42 = tpu.sem_alloc : memref<!tpu.dma_semaphore, #tpu.memory_space<semaphore_mem>>
        %dma_start3A_43 = arith.constant 0 : i32
        %dma_start3A_44 = arith.constant 0 : i32
        %dma_start3A_45 = tpu.memref_slice %arg10[%dma_start3A_43, %dma_start3A_44] : memref<640x16xf32, #tpu.memory_space<vmem>> -> memref<400x16xf32, #tpu.memory_space<vmem>>
        %dma_start3A_46 = arith.constant 9600 : i32
        %dma_start3A_47 = arith.constant 0 : i32
        %dma_start3A_48 = tpu.memref_slice %arg11[%dma_start3A_46, %dma_start3A_47] : memref<10000x16xf32, #tpu.memory_space<vmem_shared>> -> memref<400x16xf32, #tpu.memory_space<vmem_shared>>
        %dma_start3A_49 = arith.constant 9600 : i32
        %dma_start3A_50 = arith.constant 0 : i32
        %dma_start3A_51 = tpu.memref_slice %arg11[%dma_start3A_49, %dma_start3A_50] : memref<10000x16xf32, #tpu.memory_space<vmem_shared>> -> memref<400x16xf32, #tpu.memory_space<vmem_shared>>
        %dma_start3A_52 = arith.constant 0 : i32
        %dma_start3A_53 = arith.constant 0 : i32
        %dma_start3A_54 = tpu.memref_slice %arg10[%dma_start3A_52, %dma_start3A_53] : memref<640x16xf32, #tpu.memory_space<vmem>> -> memref<400x16xf32, #tpu.memory_space<vmem>>
        tpu.enqueue_dma source(%dma_start3A_54 : memref<400x16xf32, #tpu.memory_space<vmem>>) target(%dma_start3A_51 : memref<400x16xf32, #tpu.memory_space<vmem_shared>>) target_semaphore(%run_scoped3A_42 : memref<!tpu.dma_semaphore, #tpu.memory_space<semaphore_mem>>)
        %dma_wait3A_55 = arith.constant 0 : i32
        %dma_wait3A_56 = arith.constant 0 : i32
        %dma_wait3A_57 = tpu.memref_slice %arg10[%dma_wait3A_55, %dma_wait3A_56] : memref<640x16xf32, #tpu.memory_space<vmem>> -> memref<400x16xf32, #tpu.memory_space<vmem>>
        %dma_wait3A_58 = arith.constant 9600 : i32
        %dma_wait3A_59 = arith.constant 0 : i32
        %dma_wait3A_60 = tpu.memref_slice %arg11[%dma_wait3A_58, %dma_wait3A_59] : memref<10000x16xf32, #tpu.memory_space<vmem_shared>> -> memref<400x16xf32, #tpu.memory_space<vmem_shared>>
        %dma_wait3A_61 = arith.constant 9600 : i32
        %dma_wait3A_62 = arith.constant 0 : i32
        %dma_wait3A_63 = tpu.memref_slice %arg11[%dma_wait3A_61, %dma_wait3A_62] : memref<10000x16xf32, #tpu.memory_space<vmem_shared>> -> memref<400x16xf32, #tpu.memory_space<vmem_shared>>
        %dma_wait3A_64 = arith.constant 0 : i32
        %dma_wait3A_65 = arith.constant 0 : i32
        %dma_wait3A_66 = tpu.memref_slice %arg10[%dma_wait3A_64, %dma_wait3A_65] : memref<640x16xf32, #tpu.memory_space<vmem>> -> memref<400x16xf32, #tpu.memory_space<vmem>>
        tpu.wait_dma2 semaphore(%run_scoped3A_42 : memref<!tpu.dma_semaphore, #tpu.memory_space<semaphore_mem>>) src(%dma_wait3A_66 : memref<400x16xf32, #tpu.memory_space<vmem>>) dst(%dma_wait3A_63 : memref<400x16xf32, #tpu.memory_space<vmem_shared>>)
        tpu.yield
      }) : () -> ()
    } else {
    }
    %barrier3A = arith.constant 0 : index
    tpu.barrier barrier_id(%barrier3A)
    %dma_start3A = arith.constant 0 : i32
    %dma_start3A_16 = tpu.memref_slice %arg6[%dma_start3A] : memref<10000xi32, #tpu.memory_space<vmem>> -> memref<1000xi32, #tpu.memory_space<vmem>>
    %dma_start3A_17 = arith.constant 0 : i32
    %dma_start3A_18 = arith.constant 0 : i32
    %dma_start3A_19 = tpu.memref_slice %arg11[%dma_start3A_17, %dma_start3A_18] : memref<10000x16xf32, #tpu.memory_space<vmem_shared>> -> memref<10000x16xf32, #tpu.memory_space<vmem_shared>>
    tpu.enqueue_indirect_dma source(%dma_start3A_19 : memref<10000x16xf32, #tpu.memory_space<vmem_shared>>) target(%arg8 : memref<1000x16xf32, #tpu.memory_space<vmem>>) offsets(%dma_start3A_16 : memref<1000xi32, #tpu.memory_space<vmem>>) semaphore(%arg13 : memref<!tpu.dma_semaphore, #tpu.memory_space<semaphore_mem>>)
    %dma_start3A_20 = arith.constant 1000 : i32
    %dma_start3A_21 = tpu.memref_slice %arg6[%dma_start3A_20] : memref<10000xi32, #tpu.memory_space<vmem>> -> memref<1000xi32, #tpu.memory_space<vmem>>
    %dma_start3A_22 = arith.constant 0 : i32
    %dma_start3A_23 = arith.constant 0 : i32
    %dma_start3A_24 = tpu.memref_slice %arg11[%dma_start3A_22, %dma_start3A_23] : memref<10000x16xf32, #tpu.memory_space<vmem_shared>> -> memref<10000x16xf32, #tpu.memory_space<vmem_shared>>
    tpu.enqueue_indirect_dma source(%dma_start3A_24 : memref<10000x16xf32, #tpu.memory_space<vmem_shared>>) target(%arg9 : memref<1000x16xf32, #tpu.memory_space<vmem>>) offsets(%dma_start3A_21 : memref<1000xi32, #tpu.memory_space<vmem>>) semaphore(%arg14 : memref<!tpu.dma_semaphore, #tpu.memory_space<semaphore_mem>>)
    %scan3A = arith.constant 0 : i32
    %scan3A_25 = arith.constant 0 : i32
    %scan3A_26 = arith.constant 5 : i32
    %scan3A_27 = arith.addi %scan3A_25, %scan3A_26 : i32
    %scan3A_28 = arith.constant 1 : i32
    scf.for %scan3A_42 = %scan3A_25 to %scan3A_27 step %scan3A_28  : i32 {
      %mul3A_43 = arith.constant 2 : i32
      %mul3A_44 = arith.muli %scan3A_42, %mul3A_43 : i32
      %add3A_45 = arith.constant 0 : i32
      %add3A_46 = arith.addi %mul3A_44, %add3A_45 : i32
      %mul3A_47 = arith.constant 1000 : i32
      %mul3A_48 = arith.muli %add3A_46, %mul3A_47 : i32
      %dma_wait3A_49 = tpu.memref_slice %arg6[%mul3A_48] : memref<10000xi32, #tpu.memory_space<vmem>> -> memref<1000xi32, #tpu.memory_space<vmem>>
      %dma_wait3A_50 = arith.constant 0 : i32
      %dma_wait3A_51 = arith.constant 0 : i32
      %dma_wait3A_52 = tpu.memref_slice %arg11[%dma_wait3A_50, %dma_wait3A_51] : memref<10000x16xf32, #tpu.memory_space<vmem_shared>> -> memref<10000x16xf32, #tpu.memory_space<vmem_shared>>
      tpu.wait_indirect_dma semaphore(%arg13 : memref<!tpu.dma_semaphore, #tpu.memory_space<semaphore_mem>>) src(%dma_wait3A_52 : memref<10000x16xf32, #tpu.memory_space<vmem_shared>>) dst(%arg8 : memref<1000x16xf32, #tpu.memory_space<vmem>>)
      %mul3A_53 = arith.constant 1000 : i32
      %mul3A_54 = arith.muli %add3A_46, %mul3A_53 : i32
      %dma_start3A_55 = tpu.memref_slice %arg7[%mul3A_54] : memref<10000xi32, #tpu.memory_space<vmem>> -> memref<1000xi32, #tpu.memory_space<vmem>>
      %dma_start3A_56 = arith.constant 0 : i32
      %dma_start3A_57 = arith.constant 0 : i32
      %dma_start3A_58 = tpu.memref_slice %arg12[%dma_start3A_56, %dma_start3A_57] : memref<10112x16xf32, #tpu.memory_space<vmem_shared>> -> memref<10112x16xf32, #tpu.memory_space<vmem_shared>>
      tpu.enqueue_indirect_dma source(%arg8 : memref<1000x16xf32, #tpu.memory_space<vmem>>) target(%dma_start3A_58 : memref<10112x16xf32, #tpu.memory_space<vmem_shared>>) offsets(%dma_start3A_55 : memref<1000xi32, #tpu.memory_space<vmem>>) semaphore(%arg15 : memref<!tpu.dma_semaphore, #tpu.memory_space<semaphore_mem>>) {add = true}
      %add3A_59 = arith.constant 1 : i32
      %add3A_60 = arith.addi %mul3A_44, %add3A_59 : i32
      %mul3A_61 = arith.constant 1000 : i32
      %mul3A_62 = arith.muli %add3A_60, %mul3A_61 : i32
      %dma_wait3A_63 = tpu.memref_slice %arg6[%mul3A_62] : memref<10000xi32, #tpu.memory_space<vmem>> -> memref<1000xi32, #tpu.memory_space<vmem>>
      %dma_wait3A_64 = arith.constant 0 : i32
      %dma_wait3A_65 = arith.constant 0 : i32
      %dma_wait3A_66 = tpu.memref_slice %arg11[%dma_wait3A_64, %dma_wait3A_65] : memref<10000x16xf32, #tpu.memory_space<vmem_shared>> -> memref<10000x16xf32, #tpu.memory_space<vmem_shared>>
      tpu.wait_indirect_dma semaphore(%arg14 : memref<!tpu.dma_semaphore, #tpu.memory_space<semaphore_mem>>) src(%dma_wait3A_66 : memref<10000x16xf32, #tpu.memory_space<vmem_shared>>) dst(%arg9 : memref<1000x16xf32, #tpu.memory_space<vmem>>)
      %mul3A_67 = arith.constant 1000 : i32
      %mul3A_68 = arith.muli %add3A_60, %mul3A_67 : i32
      %dma_start3A_69 = tpu.memref_slice %arg7[%mul3A_68] : memref<10000xi32, #tpu.memory_space<vmem>> -> memref<1000xi32, #tpu.memory_space<vmem>>
      %dma_start3A_70 = arith.constant 0 : i32
      %dma_start3A_71 = arith.constant 0 : i32
      %dma_start3A_72 = tpu.memref_slice %arg12[%dma_start3A_70, %dma_start3A_71] : memref<10112x16xf32, #tpu.memory_space<vmem_shared>> -> memref<10112x16xf32, #tpu.memory_space<vmem_shared>>
      tpu.enqueue_indirect_dma source(%arg9 : memref<1000x16xf32, #tpu.memory_space<vmem>>) target(%dma_start3A_72 : memref<10112x16xf32, #tpu.memory_space<vmem_shared>>) offsets(%dma_start3A_69 : memref<1000xi32, #tpu.memory_space<vmem>>) semaphore(%arg16 : memref<!tpu.dma_semaphore, #tpu.memory_space<semaphore_mem>>) {add = true}
      %add3A_73 = arith.constant 0 : i32
      %add3A_74 = arith.addi %mul3A_44, %add3A_73 : i32
      %add3A_75 = arith.constant 2 : i32
      %add3A_76 = arith.addi %add3A_74, %add3A_75 : i32
      %lt3A_77 = arith.constant 10 : i32
      %lt3A_78 = arith.cmpi slt, %add3A_76, %lt3A_77 : i32
      %convert_element_type3A_79 = arith.extui %lt3A_78 : i1 to i32
      %cond3A_80 = arith.constant 0 : i32
      %cond3A_81 = arith.cmpi ne, %convert_element_type3A_79, %cond3A_80 : i32
      scf.if %cond3A_81 {
        %mul3A_91 = arith.constant 1000 : i32
        %mul3A_92 = arith.muli %add3A_74, %mul3A_91 : i32
        %dma_wait3A_93 = tpu.memref_slice %arg7[%mul3A_92] : memref<10000xi32, #tpu.memory_space<vmem>> -> memref<1000xi32, #tpu.memory_space<vmem>>
        %dma_wait3A_94 = arith.constant 0 : i32
        %dma_wait3A_95 = arith.constant 0 : i32
        %dma_wait3A_96 = tpu.memref_slice %arg12[%dma_wait3A_94, %dma_wait3A_95] : memref<10112x16xf32, #tpu.memory_space<vmem_shared>> -> memref<10112x16xf32, #tpu.memory_space<vmem_shared>>
        tpu.wait_indirect_dma semaphore(%arg15 : memref<!tpu.dma_semaphore, #tpu.memory_space<semaphore_mem>>) src(%arg8 : memref<1000x16xf32, #tpu.memory_space<vmem>>) dst(%dma_wait3A_96 : memref<10112x16xf32, #tpu.memory_space<vmem_shared>>)
        %add3A_97 = arith.constant 2 : i32
        %add3A_98 = arith.addi %add3A_74, %add3A_97 : i32
        %mul3A_99 = arith.constant 1000 : i32
        %mul3A_100 = arith.muli %add3A_98, %mul3A_99 : i32
        %dma_start3A_101 = tpu.memref_slice %arg6[%mul3A_100] : memref<10000xi32, #tpu.memory_space<vmem>> -> memref<1000xi32, #tpu.memory_space<vmem>>
        %dma_start3A_102 = arith.constant 0 : i32
        %dma_start3A_103 = arith.constant 0 : i32
        %dma_start3A_104 = tpu.memref_slice %arg11[%dma_start3A_102, %dma_start3A_103] : memref<10000x16xf32, #tpu.memory_space<vmem_shared>> -> memref<10000x16xf32, #tpu.memory_space<vmem_shared>>
        tpu.enqueue_indirect_dma source(%dma_start3A_104 : memref<10000x16xf32, #tpu.memory_space<vmem_shared>>) target(%arg8 : memref<1000x16xf32, #tpu.memory_space<vmem>>) offsets(%dma_start3A_101 : memref<1000xi32, #tpu.memory_space<vmem>>) semaphore(%arg13 : memref<!tpu.dma_semaphore, #tpu.memory_space<semaphore_mem>>)
      } else {
      }
      %add3A_82 = arith.constant 1 : i32
      %add3A_83 = arith.addi %mul3A_44, %add3A_82 : i32
      %add3A_84 = arith.constant 2 : i32
      %add3A_85 = arith.addi %add3A_83, %add3A_84 : i32
      %lt3A_86 = arith.constant 10 : i32
      %lt3A_87 = arith.cmpi slt, %add3A_85, %lt3A_86 : i32
      %convert_element_type3A_88 = arith.extui %lt3A_87 : i1 to i32
      %cond3A_89 = arith.constant 0 : i32
      %cond3A_90 = arith.cmpi ne, %convert_element_type3A_88, %cond3A_89 : i32
      scf.if %cond3A_90 {
        %mul3A_91 = arith.constant 1000 : i32
        %mul3A_92 = arith.muli %add3A_83, %mul3A_91 : i32
        %dma_wait3A_93 = tpu.memref_slice %arg7[%mul3A_92] : memref<10000xi32, #tpu.memory_space<vmem>> -> memref<1000xi32, #tpu.memory_space<vmem>>
        %dma_wait3A_94 = arith.constant 0 : i32
        %dma_wait3A_95 = arith.constant 0 : i32
        %dma_wait3A_96 = tpu.memref_slice %arg12[%dma_wait3A_94, %dma_wait3A_95] : memref<10112x16xf32, #tpu.memory_space<vmem_shared>> -> memref<10112x16xf32, #tpu.memory_space<vmem_shared>>
        tpu.wait_indirect_dma semaphore(%arg16 : memref<!tpu.dma_semaphore, #tpu.memory_space<semaphore_mem>>) src(%arg9 : memref<1000x16xf32, #tpu.memory_space<vmem>>) dst(%dma_wait3A_96 : memref<10112x16xf32, #tpu.memory_space<vmem_shared>>)
        %add3A_97 = arith.constant 2 : i32
        %add3A_98 = arith.addi %add3A_83, %add3A_97 : i32
        %mul3A_99 = arith.constant 1000 : i32
        %mul3A_100 = arith.muli %add3A_98, %mul3A_99 : i32
        %dma_start3A_101 = tpu.memref_slice %arg6[%mul3A_100] : memref<10000xi32, #tpu.memory_space<vmem>> -> memref<1000xi32, #tpu.memory_space<vmem>>
        %dma_start3A_102 = arith.constant 0 : i32
        %dma_start3A_103 = arith.constant 0 : i32
        %dma_start3A_104 = tpu.memref_slice %arg11[%dma_start3A_102, %dma_start3A_103] : memref<10000x16xf32, #tpu.memory_space<vmem_shared>> -> memref<10000x16xf32, #tpu.memory_space<vmem_shared>>
        tpu.enqueue_indirect_dma source(%dma_start3A_104 : memref<10000x16xf32, #tpu.memory_space<vmem_shared>>) target(%arg9 : memref<1000x16xf32, #tpu.memory_space<vmem>>) offsets(%dma_start3A_101 : memref<1000xi32, #tpu.memory_space<vmem>>) semaphore(%arg14 : memref<!tpu.dma_semaphore, #tpu.memory_space<semaphore_mem>>)
      } else {
      }
    }
    %scan3A_29 = arith.constant 5 : i32
    %dma_wait3A = arith.constant 8000 : i32
    %dma_wait3A_30 = tpu.memref_slice %arg7[%dma_wait3A] : memref<10000xi32, #tpu.memory_space<vmem>> -> memref<1000xi32, #tpu.memory_space<vmem>>
    %dma_wait3A_31 = arith.constant 0 : i32
    %dma_wait3A_32 = arith.constant 0 : i32
    %dma_wait3A_33 = tpu.memref_slice %arg12[%dma_wait3A_31, %dma_wait3A_32] : memref<10112x16xf32, #tpu.memory_space<vmem_shared>> -> memref<10112x16xf32, #tpu.memory_space<vmem_shared>>
    tpu.wait_indirect_dma semaphore(%arg15 : memref<!tpu.dma_semaphore, #tpu.memory_space<semaphore_mem>>) src(%arg8 : memref<1000x16xf32, #tpu.memory_space<vmem>>) dst(%dma_wait3A_33 : memref<10112x16xf32, #tpu.memory_space<vmem_shared>>)
    %dma_wait3A_34 = arith.constant 9000 : i32
    %dma_wait3A_35 = tpu.memref_slice %arg7[%dma_wait3A_34] : memref<10000xi32, #tpu.memory_space<vmem>> -> memref<1000xi32, #tpu.memory_space<vmem>>
    %dma_wait3A_36 = arith.constant 0 : i32
    %dma_wait3A_37 = arith.constant 0 : i32
    %dma_wait3A_38 = tpu.memref_slice %arg12[%dma_wait3A_36, %dma_wait3A_37] : memref<10112x16xf32, #tpu.memory_space<vmem_shared>> -> memref<10112x16xf32, #tpu.memory_space<vmem_shared>>
    tpu.wait_indirect_dma semaphore(%arg16 : memref<!tpu.dma_semaphore, #tpu.memory_space<semaphore_mem>>) src(%arg9 : memref<1000x16xf32, #tpu.memory_space<vmem>>) dst(%dma_wait3A_38 : memref<10112x16xf32, #tpu.memory_space<vmem_shared>>)
    %barrier3A_39 = arith.constant 0 : index
    tpu.barrier barrier_id(%barrier3A_39)
    %mul3A_40 = arith.constant 16 : i32
    %mul3A_41 = arith.muli %arg0, %mul3A_40 : i32
    "tpu.region"() ({
      %run_scoped3A_42 = tpu.sem_alloc : memref<!tpu.dma_semaphore, #tpu.memory_space<semaphore_mem>>
      %dma_start3A_43 = tpu.memref_slice %arg5[%mul3A_7, %mul3A_41] : memref<10112x128xf32, #tpu.memory_space<hbm>> -> memref<632x16xf32, #tpu.memory_space<hbm>>
      %dma_start3A_44 = arith.constant 0 : i32
      %dma_start3A_45 = tpu.memref_slice %arg12[%mul3A_7, %dma_start3A_44] : memref<10112x16xf32, #tpu.memory_space<vmem_shared>> -> memref<632x16xf32, #tpu.memory_space<vmem_shared>>
      tpu.enqueue_dma source(%dma_start3A_45 : memref<632x16xf32, #tpu.memory_space<vmem_shared>>) target(%dma_start3A_43 : memref<632x16xf32, #tpu.memory_space<hbm>>) target_semaphore(%run_scoped3A_42 : memref<!tpu.dma_semaphore, #tpu.memory_space<semaphore_mem>>)
      %dma_wait3A_46 = tpu.memref_slice %arg5[%mul3A_7, %mul3A_41] : memref<10112x128xf32, #tpu.memory_space<hbm>> -> memref<632x16xf32, #tpu.memory_space<hbm>>
      %dma_wait3A_47 = arith.constant 0 : i32
      %dma_wait3A_48 = tpu.memref_slice %arg12[%mul3A_7, %dma_wait3A_47] : memref<10112x16xf32, #tpu.memory_space<vmem_shared>> -> memref<632x16xf32, #tpu.memory_space<vmem_shared>>
      tpu.wait_dma2 semaphore(%run_scoped3A_42 : memref<!tpu.dma_semaphore, #tpu.memory_space<semaphore_mem>>) src(%dma_wait3A_48 : memref<632x16xf32, #tpu.memory_space<vmem_shared>>) dst(%dma_wait3A_46 : memref<632x16xf32, #tpu.memory_space<hbm>>)
      tpu.yield
    }) : () -> ()
    return
  }
}

module attributes {stable_mosaic.version = 14 : i64} {
  func.func @_tcxw_body(%arg0: i32, %arg1: memref<2000x128xf32, #tpu.memory_space<vmem>>, %arg2: memref<128x32xf32, #tpu.memory_space<vmem>>, %arg3: memref<2000x32xf32, #tpu.memory_space<vmem>>) attributes {dimension_semantics = [#tpu.dimension_semantics<arbitrary>], iteration_bounds = array<i64: 5>, scalar_prefetch = 0 : i64, scratch_operands = 0 : i64, tpu.core_type = #tpu.core_type<tc>, window_params = [{transform_indices = @transform_0, window_bounds = array<i64: 2000, 128>}, {pipeline_mode = #tpu.pipeline_mode<synchronous>, transform_indices = @transform_1, window_bounds = array<i64: 128, 32>}, {transform_indices = @transform_2, window_bounds = array<i64: 2000, 32>}]} {
    %get3A = arith.constant 0 : index
    %get3A_0 = arith.constant 0 : index
    %get3A_1 = vector.load %arg1[%get3A, %get3A_0] : memref<2000x128xf32, #tpu.memory_space<vmem>>, vector<2000x128xf32>
    %get3A_2 = arith.constant 0 : index
    %get3A_3 = arith.constant 0 : index
    %get3A_4 = vector.load %arg2[%get3A_2, %get3A_3] : memref<128x32xf32, #tpu.memory_space<vmem>>, vector<128x32xf32>
    %dot_general3A = arith.constant dense<0.000000e+00> : vector<2000x32xf32>
    %dot_general3A_5 = tpu.matmul %get3A_1, %get3A_4, %dot_general3A {dimension_numbers = #tpu.dot_dimension_numbers<[1], [0], [0], [1], [0, 0, 1, 1], [], []>, transpose_lhs_hint = false} : vector<2000x128xf32>, vector<128x32xf32>, vector<2000x32xf32> -> vector<2000x32xf32>
    %swap3A = arith.constant 0 : index
    %swap3A_6 = arith.constant 0 : index
    %swap3A_7 = vector.load %arg3[%swap3A, %swap3A_6] : memref<2000x32xf32, #tpu.memory_space<vmem>>, vector<2000x32xf32>
    tpu.vector_store %arg3[%swap3A, %swap3A_6], %dot_general3A_5 {strides = array<i32>} : memref<2000x32xf32, #tpu.memory_space<vmem>>, vector<2000x32xf32>,
    return
  }
  func.func @transform_0(%arg0: i32) -> (i32, i32) {
    %c0_i32 = arith.constant 0 : i32
    %c0_i32_0 = arith.constant 0 : i32
    return %arg0, %c0_i32 : i32, i32
  }
  func.func @transform_1(%arg0: i32) -> (i32, i32) {
    %c0_i32 = arith.constant 0 : i32
    %c0_i32_0 = arith.constant 0 : i32
    %c0_i32_1 = arith.constant 0 : i32
    return %c0_i32, %c0_i32_0 : i32, i32
  }
  func.func @transform_2(%arg0: i32) -> (i32, i32) {
    %c0_i32 = arith.constant 0 : i32
    %c0_i32_0 = arith.constant 0 : i32
    return %arg0, %c0_i32 : i32, i32
  }
}

module attributes {stable_mosaic.version = 14 : i64} {
  func.func @_tcscale_body(%arg0: i32, %arg1: memref<2000x32xf32, #tpu.memory_space<vmem>>, %arg2: memref<2000x128xf32, #tpu.memory_space<vmem>>, %arg3: memref<2000x32xf32, #tpu.memory_space<vmem>>, %arg4: memref<2000x8xf32, #tpu.memory_space<vmem>>) attributes {dimension_semantics = [#tpu.dimension_semantics<arbitrary>], iteration_bounds = array<i64: 5>, scalar_prefetch = 0 : i64, scratch_operands = 0 : i64, tpu.core_type = #tpu.core_type<tc>, window_params = [{transform_indices = @transform_0, window_bounds = array<i64: 2000, 32>}, {transform_indices = @transform_1, window_bounds = array<i64: 2000, 128>}, {transform_indices = @transform_2, window_bounds = array<i64: 2000, 32>}, {transform_indices = @transform_3, window_bounds = array<i64: 2000, 8>}]} {
    %get3A = arith.constant 0 : index
    %get3A_0 = arith.constant 0 : index
    %get3A_1 = vector.load %arg2[%get3A, %get3A_0] : memref<2000x128xf32, #tpu.memory_space<vmem>>, vector<2000x1xf32>
    %get3A_2 = arith.constant 0 : index
    %get3A_3 = arith.constant 8 : index
    %get3A_4 = vector.load %arg2[%get3A_2, %get3A_3] : memref<2000x128xf32, #tpu.memory_space<vmem>>, vector<2000x1xf32>
    %add3A = arith.addf %get3A_1, %get3A_4 : vector<2000x1xf32>
    %add3A_5 = arith.constant 1.000000e+00 : f32
    %add3A_6 = vector.broadcast %add3A_5 : f32 to vector<2000x1xf32>
    %add3A_7 = arith.addf %add3A, %add3A_6 : vector<2000x1xf32>
    %rsqrt3A = math.rsqrt %add3A_7 : vector<2000x1xf32>
    %get3A_8 = arith.constant 0 : index
    %get3A_9 = arith.constant 0 : index
    %get3A_10 = vector.load %arg1[%get3A_8, %get3A_9] : memref<2000x32xf32, #tpu.memory_space<vmem>>, vector<2000x32xf32>
    %mul3A = vector.broadcast %rsqrt3A : vector<2000x1xf32> to vector<2000x32xf32>
    %mul3A_11 = arith.mulf %get3A_10, %mul3A : vector<2000x32xf32>
    %swap3A = arith.constant 0 : index
    %swap3A_12 = arith.constant 0 : index
    %swap3A_13 = vector.load %arg3[%swap3A, %swap3A_12] : memref<2000x32xf32, #tpu.memory_space<vmem>>, vector<2000x32xf32>
    tpu.vector_store %arg3[%swap3A, %swap3A_12], %mul3A_11 {strides = array<i32>} : memref<2000x32xf32, #tpu.memory_space<vmem>>, vector<2000x32xf32>,
    %broadcast_in_dim3A = vector.shape_cast %rsqrt3A : vector<2000x1xf32> to vector<2000x1xf32>
    %broadcast_in_dim3A_14 = vector.broadcast %broadcast_in_dim3A : vector<2000x1xf32> to vector<2000x8xf32>
    %swap3A_15 = arith.constant 0 : index
    %swap3A_16 = arith.constant 0 : index
    %swap3A_17 = vector.load %arg4[%swap3A_15, %swap3A_16] : memref<2000x8xf32, #tpu.memory_space<vmem>>, vector<2000x8xf32>
    tpu.vector_store %arg4[%swap3A_15, %swap3A_16], %broadcast_in_dim3A_14 {strides = array<i32>} : memref<2000x8xf32, #tpu.memory_space<vmem>>, vector<2000x8xf32>,
    return
  }
  func.func @transform_0(%arg0: i32) -> (i32, i32) {
    %c0_i32 = arith.constant 0 : i32
    %c0_i32_0 = arith.constant 0 : i32
    return %arg0, %c0_i32 : i32, i32
  }
  func.func @transform_1(%arg0: i32) -> (i32, i32) {
    %c0_i32 = arith.constant 0 : i32
    %c0_i32_0 = arith.constant 0 : i32
    return %arg0, %c0_i32 : i32, i32
  }
  func.func @transform_2(%arg0: i32) -> (i32, i32) {
    %c0_i32 = arith.constant 0 : i32
    %c0_i32_0 = arith.constant 0 : i32
    return %arg0, %c0_i32 : i32, i32
  }
  func.func @transform_3(%arg0: i32) -> (i32, i32) {
    %c0_i32 = arith.constant 0 : i32
    %c0_i32_0 = arith.constant 0 : i32
    return %arg0, %c0_i32 : i32, i32
  }
}

module attributes {stable_mosaic.version = 14 : i64} {
  func.func @_tcB_body(%arg0: i32, %arg1: memref<2000x128xf32, #tpu.memory_space<vmem>>, %arg2: memref<2000x32xf32, #tpu.memory_space<vmem>>, %arg3: memref<2000x8xf32, #tpu.memory_space<vmem>>, %arg4: memref<1x32xf32, #tpu.memory_space<vmem>>, %arg5: memref<32x16xf32, #tpu.memory_space<vmem>>, %arg6: memref<2000x128xf32, #tpu.memory_space<vmem>>) attributes {dimension_semantics = [#tpu.dimension_semantics<arbitrary>], iteration_bounds = array<i64: 5>, scalar_prefetch = 0 : i64, scratch_operands = 0 : i64, tpu.core_type = #tpu.core_type<tc>, window_params = [{transform_indices = @transform_0, window_bounds = array<i64: 2000, 128>}, {transform_indices = @transform_1, window_bounds = array<i64: 2000, 32>}, {transform_indices = @transform_2, window_bounds = array<i64: 2000, 8>}, {pipeline_mode = #tpu.pipeline_mode<synchronous>, transform_indices = @transform_3, window_bounds = array<i64: 1, 32>}, {pipeline_mode = #tpu.pipeline_mode<synchronous>, transform_indices = @transform_4, window_bounds = array<i64: 32, 16>}, {transform_indices = @transform_5, window_bounds = array<i64: 2000, 128>}]} {
    %get3A = arith.constant 0 : index
    %get3A_0 = arith.constant 0 : index
    %get3A_1 = vector.load %arg3[%get3A, %get3A_0] : memref<2000x8xf32, #tpu.memory_space<vmem>>, vector<2000x1xf32>
    %get3A_2 = arith.constant 0 : index
    %get3A_3 = arith.constant 0 : index
    %get3A_4 = vector.load %arg1[%get3A_2, %get3A_3] : memref<2000x128xf32, #tpu.memory_space<vmem>>, vector<2000x32xf32>
    %get3A_5 = arith.constant 0 : index
    %get3A_6 = arith.constant 32 : index
    %get3A_7 = vector.load %arg1[%get3A_5, %get3A_6] : memref<2000x128xf32, #tpu.memory_space<vmem>>, vector<2000x32xf32>
    %add3A = arith.addf %get3A_4, %get3A_7 : vector<2000x32xf32>
    %mul3A = vector.broadcast %get3A_1 : vector<2000x1xf32> to vector<2000x32xf32>
    %mul3A_8 = arith.mulf %mul3A, %add3A : vector<2000x32xf32>
    %mul3A_9 = arith.mulf %get3A_1, %get3A_1 : vector<2000x1xf32>
    %get3A_10 = arith.constant 0 : index
    %get3A_11 = arith.constant 0 : index
    %get3A_12 = vector.load %arg2[%get3A_10, %get3A_11] : memref<2000x32xf32, #tpu.memory_space<vmem>>, vector<2000x32xf32>
    %mul3A_13 = vector.broadcast %mul3A_9 : vector<2000x1xf32> to vector<2000x32xf32>
    %mul3A_14 = arith.mulf %mul3A_13, %get3A_12 : vector<2000x32xf32>
    %add3A_15 = arith.addf %mul3A_8, %mul3A_14 : vector<2000x32xf32>
    %get3A_16 = arith.constant 0 : index
    %get3A_17 = arith.constant 0 : index
    %get3A_18 = vector.load %arg4[%get3A_16, %get3A_17] : memref<1x32xf32, #tpu.memory_space<vmem>>, vector<1x32xf32>
    %add3A_19 = vector.broadcast %get3A_18 : vector<1x32xf32> to vector<2000x32xf32>
    %add3A_20 = arith.addf %add3A_15, %add3A_19 : vector<2000x32xf32>
    %max3A = arith.constant 0.000000e+00 : f32
    %max3A_21 = vector.broadcast %max3A : f32 to vector<2000x32xf32>
    %max3A_22 = arith.maximumf %add3A_20, %max3A_21 : vector<2000x32xf32>
    %get3A_23 = arith.constant 0 : index
    %get3A_24 = arith.constant 0 : index
    %get3A_25 = vector.load %arg5[%get3A_23, %get3A_24] : memref<32x16xf32, #tpu.memory_space<vmem>>, vector<32x16xf32>
    %dot_general3A = arith.constant dense<0.000000e+00> : vector<2000x16xf32>
    %dot_general3A_26 = tpu.matmul %max3A_22, %get3A_25, %dot_general3A {dimension_numbers = #tpu.dot_dimension_numbers<[1], [0], [0], [1], [0, 0, 1, 1], [], []>, transpose_lhs_hint = false} : vector<2000x32xf32>, vector<32x16xf32>, vector<2000x16xf32> -> vector<2000x16xf32>
    %mul3A_27 = vector.broadcast %get3A_1 : vector<2000x1xf32> to vector<2000x16xf32>
    %mul3A_28 = arith.mulf %dot_general3A_26, %mul3A_27 : vector<2000x16xf32>
    %swap3A = arith.constant 0 : index
    %swap3A_29 = arith.constant 0 : index
    %swap3A_30 = vector.load %arg6[%swap3A, %swap3A_29] : memref<2000x128xf32, #tpu.memory_space<vmem>>, vector<2000x16xf32>
    tpu.vector_store %arg6[%swap3A, %swap3A_29], %mul3A_28 {strides = array<i32>} : memref<2000x128xf32, #tpu.memory_space<vmem>>, vector<2000x16xf32>,
    return
  }
  func.func @transform_0(%arg0: i32) -> (i32, i32) {
    %c0_i32 = arith.constant 0 : i32
    %c0_i32_0 = arith.constant 0 : i32
    return %arg0, %c0_i32 : i32, i32
  }
  func.func @transform_1(%arg0: i32) -> (i32, i32) {
    %c0_i32 = arith.constant 0 : i32
    %c0_i32_0 = arith.constant 0 : i32
    return %arg0, %c0_i32 : i32, i32
  }
  func.func @transform_2(%arg0: i32) -> (i32, i32) {
    %c0_i32 = arith.constant 0 : i32
    %c0_i32_0 = arith.constant 0 : i32
    return %arg0, %c0_i32 : i32, i32
  }
  func.func @transform_3(%arg0: i32) -> (i32, i32) {
    %c0_i32 = arith.constant 0 : i32
    %c0_i32_0 = arith.constant 0 : i32
    %c0_i32_1 = arith.constant 0 : i32
    return %c0_i32, %c0_i32_0 : i32, i32
  }
  func.func @transform_4(%arg0: i32) -> (i32, i32) {
    %c0_i32 = arith.constant 0 : i32
    %c0_i32_0 = arith.constant 0 : i32
    %c0_i32_1 = arith.constant 0 : i32
    return %c0_i32, %c0_i32_0 : i32, i32
  }
  func.func @transform_5(%arg0: i32) -> (i32, i32) {
    %c0_i32 = arith.constant 0 : i32
    %c0_i32_0 = arith.constant 0 : i32
    return %arg0, %c0_i32 : i32, i32
  }
}

module attributes {stable_mosaic.version = 14 : i64} {
  func.func @_tcC_body(%arg0: i32, %arg1: memref<2000x128xf32, #tpu.memory_space<vmem>>, %arg2: memref<2000x128xf32, #tpu.memory_space<vmem>>, %arg3: memref<2000x8xf32, #tpu.memory_space<vmem>>, %arg4: memref<1x16xf32, #tpu.memory_space<vmem>>, %arg5: memref<16x2xf32, #tpu.memory_space<vmem>>, %arg6: memref<1x2xf32, #tpu.memory_space<vmem>>, %arg7: memref<2000x2xf32, #tpu.memory_space<vmem>>) attributes {dimension_semantics = [#tpu.dimension_semantics<arbitrary>], iteration_bounds = array<i64: 5>, scalar_prefetch = 0 : i64, scratch_operands = 0 : i64, tpu.core_type = #tpu.core_type<tc>, window_params = [{transform_indices = @transform_0, window_bounds = array<i64: 2000, 128>}, {transform_indices = @transform_1, window_bounds = array<i64: 2000, 128>}, {transform_indices = @transform_2, window_bounds = array<i64: 2000, 8>}, {pipeline_mode = #tpu.pipeline_mode<synchronous>, transform_indices = @transform_3, window_bounds = array<i64: 1, 16>}, {pipeline_mode = #tpu.pipeline_mode<synchronous>, transform_indices = @transform_4, window_bounds = array<i64: 16, 2>}, {pipeline_mode = #tpu.pipeline_mode<synchronous>, transform_indices = @transform_5, window_bounds = array<i64: 1, 2>}, {transform_indices = @transform_6, window_bounds = array<i64: 2000, 2>}]} {
    %get3A = arith.constant 0 : index
    %get3A_0 = arith.constant 0 : index
    %get3A_1 = vector.load %arg3[%get3A, %get3A_0] : memref<2000x8xf32, #tpu.memory_space<vmem>>, vector<2000x1xf32>
    %get3A_2 = arith.constant 0 : index
    %get3A_3 = arith.constant 0 : index
    %get3A_4 = vector.load %arg1[%get3A_2, %get3A_3] : memref<2000x128xf32, #tpu.memory_space<vmem>>, vector<2000x16xf32>
    %get3A_5 = arith.constant 0 : index
    %get3A_6 = arith.constant 16 : index
    %get3A_7 = vector.load %arg1[%get3A_5, %get3A_6] : memref<2000x128xf32, #tpu.memory_space<vmem>>, vector<2000x16xf32>
    %add3A = arith.addf %get3A_4, %get3A_7 : vector<2000x16xf32>
    %get3A_8 = arith.constant 0 : index
    %get3A_9 = arith.constant 0 : index
    %get3A_10 = vector.load %arg2[%get3A_8, %get3A_9] : memref<2000x128xf32, #tpu.memory_space<vmem>>, vector<2000x16xf32>
    %add3A_11 = arith.addf %add3A, %get3A_10 : vector<2000x16xf32>
    %mul3A = vector.broadcast %get3A_1 : vector<2000x1xf32> to vector<2000x16xf32>
    %mul3A_12 = arith.mulf %mul3A, %add3A_11 : vector<2000x16xf32>
    %get3A_13 = arith.constant 0 : index
    %get3A_14 = arith.constant 0 : index
    %get3A_15 = vector.load %arg4[%get3A_13, %get3A_14] : memref<1x16xf32, #tpu.memory_space<vmem>>, vector<1x16xf32>
    %add3A_16 = vector.broadcast %get3A_15 : vector<1x16xf32> to vector<2000x16xf32>
    %add3A_17 = arith.addf %mul3A_12, %add3A_16 : vector<2000x16xf32>
    %max3A = arith.constant 0.000000e+00 : f32
    %max3A_18 = vector.broadcast %max3A : f32 to vector<2000x16xf32>
    %max3A_19 = arith.maximumf %add3A_17, %max3A_18 : vector<2000x16xf32>
    %get3A_20 = arith.constant 0 : index
    %get3A_21 = arith.constant 0 : index
    %get3A_22 = vector.load %arg5[%get3A_20, %get3A_21] : memref<16x2xf32, #tpu.memory_space<vmem>>, vector<16x2xf32>
    %dot_general3A = arith.constant dense<0.000000e+00> : vector<2000x2xf32>
    %dot_general3A_23 = tpu.matmul %max3A_19, %get3A_22, %dot_general3A {dimension_numbers = #tpu.dot_dimension_numbers<[1], [0], [0], [1], [0, 0, 1, 1], [], []>, transpose_lhs_hint = false} : vector<2000x16xf32>, vector<16x2xf32>, vector<2000x2xf32> -> vector<2000x2xf32>
    %get3A_24 = arith.constant 0 : index
    %get3A_25 = arith.constant 0 : index
    %get3A_26 = vector.load %arg6[%get3A_24, %get3A_25] : memref<1x2xf32, #tpu.memory_space<vmem>>, vector<1x2xf32>
    %add3A_27 = vector.broadcast %get3A_26 : vector<1x2xf32> to vector<2000x2xf32>
    %add3A_28 = arith.addf %dot_general3A_23, %add3A_27 : vector<2000x2xf32>
    %swap3A = arith.constant 0 : index
    %swap3A_29 = arith.constant 0 : index
    %swap3A_30 = vector.load %arg7[%swap3A, %swap3A_29] : memref<2000x2xf32, #tpu.memory_space<vmem>>, vector<2000x2xf32>
    tpu.vector_store %arg7[%swap3A, %swap3A_29], %add3A_28 {strides = array<i32>} : memref<2000x2xf32, #tpu.memory_space<vmem>>, vector<2000x2xf32>,
    return
  }
  func.func @transform_0(%arg0: i32) -> (i32, i32) {
    %c0_i32 = arith.constant 0 : i32
    %c0_i32_0 = arith.constant 0 : i32
    return %arg0, %c0_i32 : i32, i32
  }
  func.func @transform_1(%arg0: i32) -> (i32, i32) {
    %c0_i32 = arith.constant 0 : i32
    %c0_i32_0 = arith.constant 0 : i32
    return %arg0, %c0_i32 : i32, i32
  }
  func.func @transform_2(%arg0: i32) -> (i32, i32) {
    %c0_i32 = arith.constant 0 : i32
    %c0_i32_0 = arith.constant 0 : i32
    return %arg0, %c0_i32 : i32, i32
  }
  func.func @transform_3(%arg0: i32) -> (i32, i32) {
    %c0_i32 = arith.constant 0 : i32
    %c0_i32_0 = arith.constant 0 : i32
    %c0_i32_1 = arith.constant 0 : i32
    return %c0_i32, %c0_i32_0 : i32, i32
  }
  func.func @transform_4(%arg0: i32) -> (i32, i32) {
    %c0_i32 = arith.constant 0 : i32
    %c0_i32_0 = arith.constant 0 : i32
    %c0_i32_1 = arith.constant 0 : i32
    return %c0_i32, %c0_i32_0 : i32, i32
  }
  func.func @transform_5(%arg0: i32) -> (i32, i32) {
    %c0_i32 = arith.constant 0 : i32
    %c0_i32_0 = arith.constant 0 : i32
    %c0_i32_1 = arith.constant 0 : i32
    return %c0_i32, %c0_i32_0 : i32, i32
  }
  func.func @transform_6(%arg0: i32) -> (i32, i32) {
    %c0_i32 = arith.constant 0 : i32
    %c0_i32_0 = arith.constant 0 : i32
    return %arg0, %c0_i32 : i32, i32
  }
}

</mosaic_0001>

<sc_bundles>
// kernel: kernel.12.cloned.1.call-start
scs
__scs_entry_jumppad:
0x0: {  	(pc) =	sbr.rel $0x88, $3  }
0x1: {  	(tag) =	ssettag $0x0;
	lr =	simm.s32 $0x1  }
0x2: {  	[smem:$0x3F99] =	sst lr;
	_ =	strace $0xD0000000  }
0x3: {  	_ = 	snop  }
0x4: {  	_ = 	snop  }
0x5: {  	_ = 	snop  }
0x6: {  	_ = 	snop  }
0x7: {  	_ = 	snop  }
__scs_overlays_trampoline_lowered:
0x8: {  	[smem:$0x3FA8] =	sst s0  }
0x9: {  	[smem:$0x3FA9] =	sst s1  }
0xa: {  	[smem:$0x3FAA] =	sst s2  }
0xb: {  	[smem:$0x3FAB] =	sst s3  }
0xc: {  	[smem:$0x3FAC] =	sst s4  }
0xd: {  	[smem:$0x3FAD] =	sst s5  }
0xe: {  	[smem:$0x3FAE] =	sst s6  }
0xf: {  	[smem:$0x3FAF] =	sst s7  }
0x10: {  	[smem:$0x3FB0] =	sst s8  }
0x11: {  	[smem:$0x3FB1] =	sst s9;
	s0 =	simm.s32 @!p0 $0x0  }
0x12: {  	s1 =	sld [smem:$0x3F97];
	s0 =	simm.s32 @p0 $0x1  }
0x13: {  	[smem:$0x3FB2] =	sst s0;
	s0 =	simm.s32 @!p1 $0x0  }
0x14: {  	s2 =	sld [smem:$0x3F96];
	s0 =	simm.s32 @p1 $0x1  }
0x15: {  	[smem:$0x3FB3] =	sst s0;
	s0 =	simm.s32 @!p2 $0x0  }
0x16: {  	s3 =	sld [smem:$0x3FDB];
	s0 =	simm.s32 @p2 $0x1  }
0x17: {  	s4 =	simm.s32 $0x1BF5;
	[smem:$0x3FB5] =	sst s0  }
0x18: {  	s0 =	sld [smem:$0x3F98];
	_ =	swait.ge [sflag:s4], $0x0  }
0x19: {  	s7 =	sld [smem:$0x3F99]  }
0x1a: {  	s8 =	sadd.s32 $0xFFFFE003, lr  }
0x1b: {  	s9 =	sadd.s32 $0xFFFFFEF7, lr;
	s5 =	simm.s32 $0xFFFFFFFF;
	p2 =	slt.u32 s8, $0xFFFFF086  }
0x1c: {  	p1 =	slt.u32 s9, $0xF7A;
	s5 =	simm.s32 @!p2 $0x0  }
0x1d: {  	s5 =	simm.s32 @p1 $0x1;
	p0 =	seq.s32 s7, s2  }
0x1e: {  	s7 =	smul.u32 @!p0 $0xF7A, s2;
	p2 =	seq.s32 @!p0 s5, $0x0  }
0x1f: {  	s9 =	smul.u32 $0xF7A, s1;
	s8 =	simm.s32 @!p0 $0x1BF5;
	p2 =	por !p2, p0  }
0x20: {  	[sflag:s8] =	ssyncset.s32 @!p0 $0xFFFFF086;
	s6 =	sadd.s32 @!p0 s3, s7;
	s7 =	simm.s32 @!p0 $0x108  }
0x21: {  	s3 =	sadd.s32 s3, s9;
	s6 =	sadd.s32 @!p0 $0x88, s6;
	s7 =	simm.s32 @p2 $0x1082  }
0x22: {  	[simem:s7], [sflag:s8] =	dma.local @!p0 [hbm:s6], $0xF7A  }
0x23: {  	s9 =	sor.u32 $0xD0000000, s2;
	s6 =	simm.s32 $0x108;
	_ =	swait.ge @!p0 [sflag:s8], $0x0  }
0x24: {  	s3 =	sadd.s32 $0x88, s3;
	s6 =	simm.s32 @!p1 $0x1082;
	[sflag:s4] =	ssyncset.s32 $0xFFFFF086  }
0x25: {  	[simem:s6], [sflag:s4] =	dma.local [hbm:s3], $0xF7A  }
0x26: {  	[smem:$0x3F99] =	sst s1;
	(tag) =	ssettag s2;
	_ =	strace s9  }
0x27: {  	s1 =	sld [smem:$0x3FA9]  }
0x28: {  	s2 =	sld [smem:$0x3FAA]  }
0x29: {  	s4 =	sld [smem:$0x3FAC]  }
0x2a: {  	p0 =	seq.s32 s5, $0x0;
	s5 =	sld [smem:$0x3FAD]  }
0x2b: {  	s6 =	sld [smem:$0x3FAE]  }
0x2c: {  	s7 =	sld [smem:$0x3FAF]  }
0x2d: {  	s3 =	simm.s32 $0x108;
	s8 =	sld [smem:$0x3FB0]  }
0x2e: {  	s3 =	simm.s32 @!p0 $0x1082;
	s9 =	sld [smem:$0x3FB1]  }
0x2f: {  	lr =	sadd.s32 s0, s3;
	s0 =	sld [smem:$0x3FA8]  }
0x30: {  	s3 =	sld [smem:$0x3FAB]  }
0x31: {  	[smem:$0x3FB4] =	sst s10  }
0x32: {  	s10 =	sld [smem:$0x3FB2];
	_ =	sdelay $0x3  }
0x33: {  	p0 =	seq.s32 s10, $0x1;
	s10 =	sld [smem:$0x3FB4];
	_ =	sdelay $0x3  }
0x34: {  	[smem:$0x3FB4] =	sst s10  }
0x35: {  	s10 =	sld [smem:$0x3FB3];
	_ =	sdelay $0x3  }
0x36: {  	p1 =	seq.s32 s10, $0x1;
	s10 =	sld [smem:$0x3FB4];
	_ =	sdelay $0x3  }
0x37: {  	[smem:$0x3FB4] =	sst s10  }
0x38: {  	s10 =	sld [smem:$0x3FB5]  }
0x39: {  	_ = 	snop;
	(pc) =	sbr.ind lr, $3  }
0x3a: {  	_ = 	snop  }
0x3b: {  	_ = 	snop  }
0x3c: {  	p2 =	seq.s32 s10, $0x1;
	s10 =	sld [smem:$0x3FB4]  }
0x3d: {  	_ =	shalt  }
0x3e: {  	_ =	shalt  }
0x3f: {  	_ =	shalt  }
0x40: {  	_ =	shalt  }
0x41: {  	_ =	shalt  }
0x42: {  	_ =	shalt  }
0x43: {  	_ =	shalt  }
0x44: {  	_ =	shalt  }
0x45: {  	_ =	shalt  }
0x46: {  	_ =	shalt  }
0x47: {  	_ =	shalt  }
0x48: {  	_ =	shalt  }
0x49: {  	_ =	shalt  }
0x4a: {  	_ =	shalt  }
0x4b: {  	_ =	shalt  }
0x4c: {  	_ =	shalt  }
0x4d: {  	_ =	shalt  }
0x4e: {  	_ =	shalt  }
0x4f: {  	_ =	shalt  }
0x50: {  	_ =	shalt  }
0x51: {  	_ =	shalt  }
0x52: {  	_ =	shalt  }
0x53: {  	_ =	shalt  }
0x54: {  	_ =	shalt  }
0x55: {  	_ =	shalt  }
0x56: {  	_ =	shalt  }
0x57: {  	_ =	shalt  }
0x58: {  	_ =	shalt  }
0x59: {  	_ =	shalt  }
0x5a: {  	_ =	shalt  }
0x5b: {  	_ =	shalt  }
0x5c: {  	_ =	shalt  }
0x5d: {  	_ =	shalt  }
0x5e: {  	_ =	shalt  }
0x5f: {  	_ =	shalt  }
0x60: {  	_ =	shalt  }
0x61: {  	_ =	shalt  }
0x62: {  	_ =	shalt  }
0x63: {  	_ =	shalt  }
0x64: {  	_ =	shalt  }
0x65: {  	_ =	shalt  }
0x66: {  	_ =	shalt  }
0x67: {  	_ =	shalt  }
0x68: {  	_ =	shalt  }
0x69: {  	_ =	shalt  }
0x6a: {  	_ =	shalt  }
0x6b: {  	_ =	shalt  }
0x6c: {  	_ =	shalt  }
0x6d: {  	_ =	shalt  }
0x6e: {  	_ =	shalt  }
0x6f: {  	_ =	shalt  }
0x70: {  	_ =	shalt  }
0x71: {  	_ =	shalt  }
0x72: {  	_ =	shalt  }
0x73: {  	_ =	shalt  }
0x74: {  	_ =	shalt  }
0x75: {  	_ =	shalt  }
0x76: {  	_ =	shalt  }
0x77: {  	_ =	shalt  }
0x78: {  	_ =	shalt  }
0x79: {  	_ =	shalt  }
0x7a: {  	_ =	shalt  }
0x7b: {  	_ =	shalt  }
0x7c: {  	_ =	shalt  }
0x7d: {  	_ =	shalt  }
0x7e: {  	_ =	shalt  }
0x7f: {  	_ =	shalt  }
0x80: {  	_ =	shalt  }
0x81: {  	_ =	shalt  }
0x82: {  	_ =	shalt  }
0x83: {  	_ =	shalt  }
0x84: {  	_ =	shalt  }
0x85: {  	_ =	shalt  }
0x86: {  	_ =	shalt  }
0x87: {  	_ =	shalt  }
.Lfunc_end0:
.L_simem_size_0:
called_computation.1_lowered:
.L_overlay_start_0:
0x88: {  	s2 =	sld [smem:$0x3FD9]  }
0x89: {  	s3 =	sld [smem:$0x3FFE];
	_ =	sdelay $0x1  }
0x8a: {  	s1 =	srdreg.scid  }
0x8b: {  	s0 =	sand.u32 $0x1, s1  }
0x8c: {  	s16 =	sshll.u32 s0, $0xA;
	s2 =	sadd.s32 s3, s2  }
0x8d: {  	s2 =	sadd.s32 s2, s16  }
0x8e: {  	[smem:$0x3FC0] =	sst s2  }
0x8f: {  	_ = 	snop  }
0x90: {  	(tm) =	ssettm $0x1  }
0x91: {  	s17 =	sld [smem:$0x3FFB];
	_ =	sdelay $0x3  }
0x92: {  	_ =	strace s17  }
0x93: {  	s2 =	sld [smem:$0x3FFC];
	_ =	sdelay $0x3  }
0x94: {  	_ =	strace s2  }
0x95: {  	s2 =	sld [smem:$0x3FFD];
	_ =	sdelay $0x3  }
0x96: {  	_ =	strace s2  }
0x97: {  	_ =	strace $0x8FFFFFFF  }
0x98: {  	s18 =	sld [smem:$0x3FDB];
	_ =	sdelay $0x1  }
0x99: {  	s19 =	simm.s32 $_scs_section_size  }
0x9a: {  	s4 =	simm.s32 $_size__tile_overlayer_lowered;
	s5 =	simm.s32 $_tile_overlayer_lowered  }
0x9b: {  	s22 =	simm.s32 $0x1BFF;
	s21 =	sshll.u32 s5, $0x1;
	s2 =	sadd.s32 s19, s18  }
0x9c: {  	s6 =	simm.s32 $0x0;
	s20 =	sshll.u32 s4, $0x1;
	s4 =	sadd.s32 s21, s2  }
0x9d: {  	[timem:s6], [sflag:s22] =	dma.local [hbm:s4], s20  }
0x9e: {  	_ =	swait.ge [sflag:s22], s20  }
0x9f: {  	s3 =	ssub.s32 $0x0, s20;
	[sflag:s22] =	ssyncset.done $0x0  }
0xa0: {  	[sflag:s22] =	ssyncadd.s32 s3;
	_ =	sdelay $0x1  }
0xa1: {  	s23 =	simm.s32 $0x1B8B  }
0xa2: {  	_ =	swait.ge [sflag:s23], $0x1  }
0xa3: {  	[sflag:s23] =	ssyncset.done $0x0  }
0xa4: {  	s25 =	simm.s32 $0x1B8E;
	s24 =	sld [smem:$0x3FFE];
	[sflag:s23] =	ssyncadd.s32 $0xFFFFFFFF  }
0xa5: {  	s26 =	simm.s32 $execute0_lowered;
	[smem:$0x3FD2] =	sst s25  }
0xa6: {  	s4 =	sshll.u32 s26, $0x1;
	_ =	strace $0x80000049;
	[dreg:$0x1] =	wrdreg $0xFFFFFFFF  }
0xa7: {  	s28 =	simm.s32 $_size_execute0_lowered;
	s2 =	sadd.s32 s2, s4;
	[dreg:$0x0] =	wrdreg $0x0  }
0xa8: {  	s4 =	sshll.u32 s28, $0x1;
	[dreg:$0x2] =	wrdreg s2  }
0xa9: {  	[dreg:$0x3] =	wrdreg s4  }
0xaa: {  	[dreg:$0x4] =	wrdreg $0xC0  }
0xab: {  	_ =	task [dreg:s6], $0x5FFFF  }
0xac: {  	[dreg:$0x1] =	wrdreg $0xFFFFFFFF  }
0xad: {  	[dreg:$0x0] =	wrdreg $0x60  }
0xae: {  	[dreg:$0x2] =	wrdreg s24  }
0xaf: {  	[dreg:$0x3] =	wrdreg $0x148200  }
0xb0: {  	[dreg:$0x4] =	wrdreg $0x9  }
0xb1: {  	_ =	task.clear_ibuf [dreg:s6], $0x5FFFF;
	_ =	strace $0x90000049  }
0xb2: {  	s29 =	simm.s32 $0x9;
	_ =	strace $0x8000004B  }
0xb3: {  	_ =	swait.ge [sflag:s29], $0x1  }
0xb4: {  	[sflag:s29] =	ssyncadd.s32 $0xFFFFFFFF  }
0xb5: {  	_ =	strace $0x9000004B  }
0xb6: {  	_ =	sfence  }
0xb7: {  	s30 =	sld [smem:$0x0];
	_ =	sdelay $0x2  }
0xb8: {  	s31 =	sshll.u32 s1, $0xD;
	s1 =	sshrl.u32 s1, $0x2  }
0xb9: {  	s3 =	sand.u32 $0x4000, s31;
	s1 =	sadd.s32 s1, s30  }
0xba: {  	s0 =	sor.u32 s3, s0;
	s1 =	sshll.u32 s1, $0x11  }
0xbb: {  	s0 =	sor.u32 s1, s0  }
0xbc: {  	s0 =	sadd.s32 $0x8F2B, s0  }
0xbd: {  	[sflag:s0] =	ssyncadd.remote.s32 $0x1  }
0xbe: {  	_ =	sfence.sel $0xFFFF  }
0xbf: {  	[dreg:$0x0] =	wrdreg $0xFFFFFFFF;
	(pc) =	sbr.abs _section_cstart, $3  }
0xc0: {  	[dreg:$0x1] =	wrdreg $0xFFFFFFFF  }
0xc1: {  	_ =	task.clear_ibuf [dreg:s6], $0x2FFFF;
	_ =	strace $0x9FFFFFFF  }
0xc2: {  	(tm) =	ssettm $0x7FFFFFFF  }
0xc3: {  	_ =	shalt  }
tec
execute0_lowered:
.L_overlay_start_1:
0x0: {  	(tag) =	ssettag $0x1  }
0x1: {  	s0 =	srdreg.scid  }
0x2: {  	s8 =	rddreg [dreg:$0x0];
	s15 =	stileid.u32  }
0x3: {  	s2 =	rddreg [dreg:$0x1];
	s19 =	simm.s32 $0x2AF8;
	s20 =	simm.s32 $0x7D0  }
0x4: {  	s22 =	simm.s32 $0xBB8;
	s1 =	sand.u32 $0x1, s0;
	s6 =	smul.u32 $0x4F00, s15  }
0x5: {  	s5 =	smul.u32 $0x13C00, s15;
	s3 =	sshll.u32 s1, $0x4;
	s9 =	sshll.u32 s1, $0x5  }
0x6: {  	s4 =	sor.u32 s15, s3;
	s3 =	simm.s32 $0x0;
	s7 =	sshrl.u32 s6, $0x3  }
0x7: {  	s5 =	sor.u32 s9, s5;
	s4 =	smul.u32 $0x2710, s4;
	[smem:$0x7FF] =	sst s3  }
0x8: {  	s5 =	sshrl.u32 s5, $0x3;
	_ =	strace $0x8000004A;
	[dreg:$0x7] =	wrdreg s19  }
0x9: {  	s7 =	sadd.s32 s7, s8;
	s5 =	sadd.s32 s5, s8;
	[dreg:$0x8] =	wrdreg s20  }
0xa: {  	s17 =	sadd.s32 $0x20A00, s7;
	[dreg:$0x9] =	wrdreg s22;
	s4 =	sshrl.u32 s4, $0x3  }
0xb: {  	[dreg:$0x5] =	wrdreg s17;
	s18 =	sadd.s32 $0x2A800, s5;
	s4 =	sadd.s32 s4, s8  }
0xc: {  	[dreg:$0x6] =	wrdreg s18;
	s16 =	sadd.s32 $0x3200, s4  }
0xd: {  	s4 =	sadd.s32 $0xCE40, s4;
	[dreg:$0x3] =	wrdreg s16  }
0xe: {  	[dreg:$0x4] =	wrdreg s4  }
0xf: {  	s4 =	simm.s32 $0x5;
	s21 =	rddreg [dreg:$0x3]  }
0x10: {  	[tilespmem:s3], [sflag:$0x5] =	stream.linear.gather [hbm4b:s21+s3], $0x2710, $0x38;
	[tilespmem:$0x19720] =	vst v63  }
0x11: {  	_ =	swait.ge [sflag:s4], $0x2710  }
0x12: {  	[sflag:s4] =	ssyncset.done $0x0  }
0x13: {  	s5 =	simm.s32 $0x2710;
	s23 =	rddreg [dreg:$0x4];
	[sflag:s4] =	ssyncadd.s32 $0xFFFFD8F0  }
0x14: {  	[tilespmem:s5], [sflag:$0x5] =	stream.linear.gather [hbm4b:s23+s3], $0x2710, $0x38;
	[tilespmem:$0x19720] =	vst v63  }
0x15: {  	s26 =	sshll.u32 s15, $0x6;
	_ =	swait.ge [sflag:s4], $0x2710  }
0x16: {  	s25 =	sadd.s32 s6, s2;
	s6 =	sor.u32 $0x1C05, s26;
	[sflag:s4] =	ssyncset.done $0x0  }
0x17: {  	s7 =	sshrl.u32 s25, $0x3;
	s24 =	rddreg [dreg:$0x5];
	[sflag:s4] =	ssyncadd.s32 $0xFFFFD8F0  }
0x18: {  	[spmem:s7], [sflag:s6] =	dma.local [hbm:s24], $0x9E0  }
0x19: {  	_ =	swait.ge [sflag:s4], $0x9E0  }
0x1a: {  	[sflag:s4] =	ssyncset.done $0x0  }
0x1b: {  	s10 =	simm.s32 $0x4E20;
	[sflag:s4] =	ssyncadd.s32 $0xFFFFF620  }
0x1c: {  	s9 =	simm.s32 $0x3E8;
	s8 =	sadd.s32 $0x16C00, s8;
	[bflag:$0x0] =	sbarrier.arrive $0xFFFF  }
0x1d: {  	[tilespmem:s10], [sflag:$0x1] =	stream.indirect.gather [hbm4b:s8+s9], $0x20, s3, s9, $0xb8;
	[tilespmem:$0x19720] =	vst v63  }
0x1e: {  	s11 =	simm.s32 $0xCB20;
	s12 =	simm.s32 $0x1  }
0x1f: {  	[tilespmem:s11], [sflag:$0x2] =	stream.indirect.gather [hbm4b:s8+s9], $0x20, s9, s9, $0xb8;
	[tilespmem:$0x19720] =	vst v63  }
0x20: {  	_ =	swait.ge [sflag:s12], $0x7D00  }
0x21: {  	[sflag:s12] =	ssyncset.done $0x0  }
0x22: {  	s13 =	simm.s32 $0x2;
	[sflag:s12] =	ssyncadd.s32 $0xFFFF8300  }
0x23: {  	[spmem:s2] =	stream.indirect.scatter.add.f32 [tilespmem:s10], [sflag:$0x3], $0x20, s5, s9, $0xb8;
	[tilespmem:$0x19720] =	vst v63  }
0x24: {  	_ =	swait.ge [sflag:s13], $0x7D00  }
0x25: {  	[sflag:s13] =	ssyncset.done $0x0  }
0x26: {  	s14 =	simm.s32 $0x3;
	s15 =	rddreg [dreg:$0x7];
	[sflag:s13] =	ssyncadd.s32 $0xFFFF8300  }
0x27: {  	[spmem:s2] =	stream.indirect.scatter.add.f32 [tilespmem:s11], [sflag:$0x4], $0x20, s15, s9, $0xb8;
	[tilespmem:$0x19720] =	vst v63  }
0x28: {  	_ =	swait.ge [sflag:s14], $0x7D00  }
0x29: {  	[sflag:s14] =	ssyncset.done $0x0  }
0x2a: {  	s15 =	simm.s32 $0x4;
	s16 =	rddreg [dreg:$0x8];
	[sflag:s14] =	ssyncadd.s32 $0xFFFF8300  }
0x2b: {  	[tilespmem:s10], [sflag:$0x1] =	stream.indirect.gather [hbm4b:s8+s9], $0x20, s16, s9, $0xb8;
	[tilespmem:$0x19720] =	vst v63  }
0x2c: {  	_ =	swait.ge [sflag:s15], $0x7D00  }
0x2d: {  	[sflag:s15] =	ssyncset.done $0x0  }
0x2e: {  	s0 =	rddreg [dreg:$0x9];
	[sflag:s15] =	ssyncadd.s32 $0xFFFF8300  }
0x2f: {  	[tilespmem:s11], [sflag:$0x2] =	stream.indirect.gather [hbm4b:s8+s9], $0x20, s0, s9, $0xb8;
	[tilespmem:$0x19720] =	vst v63  }
0x30: {  	_ =	swait.ge [sflag:s12], $0x7D00  }
0x31: {  	[sflag:s12] =	ssyncset.done $0x0  }
0x32: {  	s16 =	simm.s32 $0x2EE0;
	[sflag:s12] =	ssyncadd.s32 $0xFFFF8300  }
0x33: {  	[spmem:s2] =	stream.indirect.scatter.add.f32 [tilespmem:s10], [sflag:$0x3], $0x20, s16, s9, $0xb8;
	[tilespmem:$0x19720] =	vst v63  }
0x34: {  	_ =	swait.ge [sflag:s13], $0x7D00  }
0x35: {  	[sflag:s13] =	ssyncset.done $0x0  }
0x36: {  	s17 =	simm.s32 $0x32C8;
	[sflag:s13] =	ssyncadd.s32 $0xFFFF8300  }
0x37: {  	[spmem:s2] =	stream.indirect.scatter.add.f32 [tilespmem:s11], [sflag:$0x4], $0x20, s17, s9, $0xb8;
	[tilespmem:$0x19720] =	vst v63  }
0x38: {  	_ =	swait.ge [sflag:s14], $0x7D00  }
0x39: {  	[sflag:s14] =	ssyncset.done $0x0  }
0x3a: {  	s18 =	simm.s32 $0xFA0;
	[sflag:s14] =	ssyncadd.s32 $0xFFFF8300  }
0x3b: {  	[tilespmem:s10], [sflag:$0x1] =	stream.indirect.gather [hbm4b:s8+s9], $0x20, s18, s9, $0xb8;
	[tilespmem:$0x19720] =	vst v63  }
0x3c: {  	_ =	swait.ge [sflag:s15], $0x7D00  }
0x3d: {  	[sflag:s15] =	ssyncset.done $0x0  }
0x3e: {  	s19 =	simm.s32 $0x1388;
	[sflag:s15] =	ssyncadd.s32 $0xFFFF8300  }
0x3f: {  	[tilespmem:s11], [sflag:$0x2] =	stream.indirect.gather [hbm4b:s8+s9], $0x20, s19, s9, $0xb8;
	[tilespmem:$0x19720] =	vst v63  }
0x40: {  	_ =	swait.ge [sflag:s12], $0x7D00  }
0x41: {  	[sflag:s12] =	ssyncset.done $0x0  }
0x42: {  	s20 =	simm.s32 $0x36B0;
	[sflag:s12] =	ssyncadd.s32 $0xFFFF8300  }
0x43: {  	[spmem:s2] =	stream.indirect.scatter.add.f32 [tilespmem:s10], [sflag:$0x3], $0x20, s20, s9, $0xb8;
	[tilespmem:$0x19720] =	vst v63  }
0x44: {  	_ =	swait.ge [sflag:s13], $0x7D00  }
0x45: {  	[sflag:s13] =	ssyncset.done $0x0  }
0x46: {  	s21 =	simm.s32 $0x3A98;
	[sflag:s13] =	ssyncadd.s32 $0xFFFF8300  }
0x47: {  	[spmem:s2] =	stream.indirect.scatter.add.f32 [tilespmem:s11], [sflag:$0x4], $0x20, s21, s9, $0xb8;
	[tilespmem:$0x19720] =	vst v63  }
0x48: {  	_ =	swait.ge [sflag:s14], $0x7D00  }
0x49: {  	[sflag:s14] =	ssyncset.done $0x0  }
0x4a: {  	s22 =	simm.s32 $0x1770;
	[sflag:s14] =	ssyncadd.s32 $0xFFFF8300  }
0x4b: {  	[tilespmem:s10], [sflag:$0x1] =	stream.indirect.gather [hbm4b:s8+s9], $0x20, s22, s9, $0xb8;
	[tilespmem:$0x19720] =	vst v63  }
0x4c: {  	_ =	swait.ge [sflag:s15], $0x7D00  }
0x4d: {  	[sflag:s15] =	ssyncset.done $0x0  }
0x4e: {  	s23 =	simm.s32 $0x1B58;
	[sflag:s15] =	ssyncadd.s32 $0xFFFF8300  }
0x4f: {  	[tilespmem:s11], [sflag:$0x2] =	stream.indirect.gather [hbm4b:s8+s9], $0x20, s23, s9, $0xb8;
	[tilespmem:$0x19720] =	vst v63  }
0x50: {  	_ =	swait.ge [sflag:s12], $0x7D00  }
0x51: {  	[sflag:s12] =	ssyncset.done $0x0  }
0x52: {  	s24 =	simm.s32 $0x3E80;
	[sflag:s12] =	ssyncadd.s32 $0xFFFF8300  }
0x53: {  	[spmem:s2] =	stream.indirect.scatter.add.f32 [tilespmem:s10], [sflag:$0x3], $0x20, s24, s9, $0xb8;
	[tilespmem:$0x19720] =	vst v63  }
0x54: {  	_ =	swait.ge [sflag:s13], $0x7D00  }
0x55: {  	[sflag:s13] =	ssyncset.done $0x0  }
0x56: {  	s25 =	simm.s32 $0x4268;
	[sflag:s13] =	ssyncadd.s32 $0xFFFF8300  }
0x57: {  	[spmem:s2] =	stream.indirect.scatter.add.f32 [tilespmem:s11], [sflag:$0x4], $0x20, s25, s9, $0xb8;
	[tilespmem:$0x19720] =	vst v63  }
0x58: {  	_ =	swait.ge [sflag:s14], $0x7D00  }
0x59: {  	[sflag:s14] =	ssyncset.done $0x0  }
0x5a: {  	s26 =	simm.s32 $0x1F40;
	[sflag:s14] =	ssyncadd.s32 $0xFFFF8300  }
0x5b: {  	[tilespmem:s10], [sflag:$0x1] =	stream.indirect.gather [hbm4b:s8+s9], $0x20, s26, s9, $0xb8;
	[tilespmem:$0x19720] =	vst v63  }
0x5c: {  	_ =	swait.ge [sflag:s15], $0x7D00  }
0x5d: {  	[sflag:s15] =	ssyncset.done $0x0  }
0x5e: {  	s28 =	simm.s32 $0x2328;
	[sflag:s15] =	ssyncadd.s32 $0xFFFF8300  }
0x5f: {  	[tilespmem:s11], [sflag:$0x2] =	stream.indirect.gather [hbm4b:s8+s9], $0x20, s28, s9, $0xb8;
	[tilespmem:$0x19720] =	vst v63  }
0x60: {  	_ =	swait.ge [sflag:s12], $0x7D00  }
0x61: {  	[sflag:s12] =	ssyncset.done $0x0  }
0x62: {  	s29 =	simm.s32 $0x4650;
	[sflag:s12] =	ssyncadd.s32 $0xFFFF8300  }
0x63: {  	[spmem:s2] =	stream.indirect.scatter.add.f32 [tilespmem:s10], [sflag:$0x3], $0x20, s29, s9, $0xb8;
	[tilespmem:$0x19720] =	vst v63  }
0x64: {  	_ =	swait.ge [sflag:s13], $0x7D00  }
0x65: {  	[sflag:s13] =	ssyncset.done $0x0  }
0x66: {  	s30 =	simm.s32 $0x4A38;
	[sflag:s13] =	ssyncadd.s32 $0xFFFF8300  }
0x67: {  	[spmem:s2] =	stream.indirect.scatter.add.f32 [tilespmem:s11], [sflag:$0x4], $0x20, s30, s9, $0xb8;
	[tilespmem:$0x19720] =	vst v63  }
0x68: {  	s1 =	ssub.s32 $0x2, s1;
	_ =	swait.ge [sflag:s14], $0x7D00  }
0x69: {  	s31 =	sshrl.u32 s1, $0x1;
	[sflag:s14] =	ssyncset.done $0x0  }
0x6a: {  	s1 =	ssub.s32 s1, s31;
	[sflag:s14] =	ssyncadd.s32 $0xFFFF8300  }
0x6b: {  	s1 =	smax.u32 s1, $0x1;
	_ =	swait.ge [sflag:s15], $0x7D00  }
0x6c: {  	p0 =	sne.s32 s1, $0x1;
	[sflag:s15] =	ssyncset.done $0x0  }
.Ltmp0:
0x6d: {  	[sflag:s15] =	ssyncadd.s32 $0xFFFF8300;
	(pc) =	sbr.rel @!p0 .LBB2_2-.Ltmp0, $4  }
0x6e: {  	[bflag:$0x0] =	sbarrier.arrive $0xFFFF  }
0x6f: {  	s31 =	simm.s32 $0x10;
	s0 =	rddreg [dreg:$0x6]  }
0x70: {  	[hbm:s0@s31], [sflag:s6] =	dma.strided [spmem:s7@s15], $0x9E0, s12, $0x4   }
0x71: {  	s1 =	sadd.s32 $0xFFFFFFFF, s1;
	_ =	swait.ge [sflag:s4], $0x9E0  }
.LBB2_1:
0x72: {  	[sflag:s4] =	ssyncset.done $0x0  }
0x73: {  	s0 =	rddreg [dreg:$0x3];
	[sflag:s4] =	ssyncadd.s32 $0xFFFFF620  }
0x74: {  	[tilespmem:s3], [sflag:$0x5] =	stream.linear.gather [hbm4b:s0+s3], $0x2710, $0x38;
	[tilespmem:$0x19720] =	vst v63  }
0x75: {  	_ =	swait.ge [sflag:s4], $0x2710  }
0x76: {  	[sflag:s4] =	ssyncset.done $0x0  }
0x77: {  	s0 =	rddreg [dreg:$0x4];
	[sflag:s4] =	ssyncadd.s32 $0xFFFFD8F0  }
0x78: {  	[tilespmem:s5], [sflag:$0x5] =	stream.linear.gather [hbm4b:s0+s3], $0x2710, $0x38;
	[tilespmem:$0x19720] =	vst v63  }
0x79: {  	_ =	swait.ge [sflag:s4], $0x2710  }
0x7a: {  	[sflag:s4] =	ssyncset.done $0x0  }
0x7b: {  	s0 =	rddreg [dreg:$0x5];
	[sflag:s4] =	ssyncadd.s32 $0xFFFFD8F0  }
0x7c: {  	[spmem:s7], [sflag:s6] =	dma.local [hbm:s0], $0x9E0  }
0x7d: {  	_ =	swait.ge [sflag:s4], $0x9E0  }
0x7e: {  	[sflag:s4] =	ssyncset.done $0x0  }
0x7f: {  	[sflag:s4] =	ssyncadd.s32 $0xFFFFF620  }
0x80: {  	[bflag:$0x0] =	sbarrier.arrive $0xFFFF  }
0x81: {  	[tilespmem:s10], [sflag:$0x1] =	stream.indirect.gather [hbm4b:s8+s9], $0x20, s3, s9, $0xb8;
	[tilespmem:$0x19720] =	vst v63  }
0x82: {  	_ = 	snop  }
0x83: {  	[tilespmem:s11], [sflag:$0x2] =	stream.indirect.gather [hbm4b:s8+s9], $0x20, s9, s9, $0xb8;
	[tilespmem:$0x19720] =	vst v63  }
0x84: {  	_ =	swait.ge [sflag:s12], $0x7D00  }
0x85: {  	[sflag:s12] =	ssyncset.done $0x0  }
0x86: {  	[sflag:s12] =	ssyncadd.s32 $0xFFFF8300  }
0x87: {  	[spmem:s2] =	stream.indirect.scatter.add.f32 [tilespmem:s10], [sflag:$0x3], $0x20, s5, s9, $0xb8;
	[tilespmem:$0x19720] =	vst v63  }
0x88: {  	_ =	swait.ge [sflag:s13], $0x7D00  }
0x89: {  	[sflag:s13] =	ssyncset.done $0x0  }
0x8a: {  	s0 =	rddreg [dreg:$0x7];
	[sflag:s13] =	ssyncadd.s32 $0xFFFF8300  }
0x8b: {  	[spmem:s2] =	stream.indirect.scatter.add.f32 [tilespmem:s11], [sflag:$0x4], $0x20, s0, s9, $0xb8;
	[tilespmem:$0x19720] =	vst v63  }
0x8c: {  	_ =	swait.ge [sflag:s14], $0x7D00  }
0x8d: {  	[sflag:s14] =	ssyncset.done $0x0  }
0x8e: {  	s0 =	rddreg [dreg:$0x8];
	[sflag:s14] =	ssyncadd.s32 $0xFFFF8300  }
0x8f: {  	[tilespmem:s10], [sflag:$0x1] =	stream.indirect.gather [hbm4b:s8+s9], $0x20, s0, s9, $0xb8;
	[tilespmem:$0x19720] =	vst v63  }
0x90: {  	_ =	swait.ge [sflag:s15], $0x7D00  }
0x91: {  	[sflag:s15] =	ssyncset.done $0x0  }
0x92: {  	s0 =	rddreg [dreg:$0x9];
	[sflag:s15] =	ssyncadd.s32 $0xFFFF8300  }
0x93: {  	[tilespmem:s11], [sflag:$0x2] =	stream.indirect.gather [hbm4b:s8+s9], $0x20, s0, s9, $0xb8;
	[tilespmem:$0x19720] =	vst v63  }
0x94: {  	_ =	swait.ge [sflag:s12], $0x7D00  }
0x95: {  	[sflag:s12] =	ssyncset.done $0x0  }
0x96: {  	[sflag:s12] =	ssyncadd.s32 $0xFFFF8300  }
0x97: {  	[spmem:s2] =	stream.indirect.scatter.add.f32 [tilespmem:s10], [sflag:$0x3], $0x20, s16, s9, $0xb8;
	[tilespmem:$0x19720] =	vst v63  }
0x98: {  	_ =	swait.ge [sflag:s13], $0x7D00  }
0x99: {  	[sflag:s13] =	ssyncset.done $0x0  }
0x9a: {  	[sflag:s13] =	ssyncadd.s32 $0xFFFF8300  }
0x9b: {  	[spmem:s2] =	stream.indirect.scatter.add.f32 [tilespmem:s11], [sflag:$0x4], $0x20, s17, s9, $0xb8;
	[tilespmem:$0x19720] =	vst v63  }
0x9c: {  	_ =	swait.ge [sflag:s14], $0x7D00  }
0x9d: {  	[sflag:s14] =	ssyncset.done $0x0  }
0x9e: {  	[sflag:s14] =	ssyncadd.s32 $0xFFFF8300  }
0x9f: {  	[tilespmem:s10], [sflag:$0x1] =	stream.indirect.gather [hbm4b:s8+s9], $0x20, s18, s9, $0xb8;
	[tilespmem:$0x19720] =	vst v63  }
0xa0: {  	_ =	swait.ge [sflag:s15], $0x7D00  }
0xa1: {  	[sflag:s15] =	ssyncset.done $0x0  }
0xa2: {  	[sflag:s15] =	ssyncadd.s32 $0xFFFF8300  }
0xa3: {  	[tilespmem:s11], [sflag:$0x2] =	stream.indirect.gather [hbm4b:s8+s9], $0x20, s19, s9, $0xb8;
	[tilespmem:$0x19720] =	vst v63  }
0xa4: {  	_ =	swait.ge [sflag:s12], $0x7D00  }
0xa5: {  	[sflag:s12] =	ssyncset.done $0x0  }
0xa6: {  	[sflag:s12] =	ssyncadd.s32 $0xFFFF8300  }
0xa7: {  	[spmem:s2] =	stream.indirect.scatter.add.f32 [tilespmem:s10], [sflag:$0x3], $0x20, s20, s9, $0xb8;
	[tilespmem:$0x19720] =	vst v63  }
0xa8: {  	_ =	swait.ge [sflag:s13], $0x7D00  }
0xa9: {  	[sflag:s13] =	ssyncset.done $0x0  }
0xaa: {  	[sflag:s13] =	ssyncadd.s32 $0xFFFF8300  }
0xab: {  	[spmem:s2] =	stream.indirect.scatter.add.f32 [tilespmem:s11], [sflag:$0x4], $0x20, s21, s9, $0xb8;
	[tilespmem:$0x19720] =	vst v63  }
0xac: {  	_ =	swait.ge [sflag:s14], $0x7D00  }
0xad: {  	[sflag:s14] =	ssyncset.done $0x0  }
0xae: {  	[sflag:s14] =	ssyncadd.s32 $0xFFFF8300  }
0xaf: {  	[tilespmem:s10], [sflag:$0x1] =	stream.indirect.gather [hbm4b:s8+s9], $0x20, s22, s9, $0xb8;
	[tilespmem:$0x19720] =	vst v63  }
0xb0: {  	_ =	swait.ge [sflag:s15], $0x7D00  }
0xb1: {  	[sflag:s15] =	ssyncset.done $0x0  }
0xb2: {  	[sflag:s15] =	ssyncadd.s32 $0xFFFF8300  }
0xb3: {  	[tilespmem:s11], [sflag:$0x2] =	stream.indirect.gather [hbm4b:s8+s9], $0x20, s23, s9, $0xb8;
	[tilespmem:$0x19720] =	vst v63  }
0xb4: {  	_ =	swait.ge [sflag:s12], $0x7D00  }
0xb5: {  	[sflag:s12] =	ssyncset.done $0x0  }
0xb6: {  	[sflag:s12] =	ssyncadd.s32 $0xFFFF8300  }
0xb7: {  	[spmem:s2] =	stream.indirect.scatter.add.f32 [tilespmem:s10], [sflag:$0x3], $0x20, s24, s9, $0xb8;
	[tilespmem:$0x19720] =	vst v63  }
0xb8: {  	_ =	swait.ge [sflag:s13], $0x7D00  }
0xb9: {  	[sflag:s13] =	ssyncset.done $0x0  }
0xba: {  	[sflag:s13] =	ssyncadd.s32 $0xFFFF8300  }
0xbb: {  	[spmem:s2] =	stream.indirect.scatter.add.f32 [tilespmem:s11], [sflag:$0x4], $0x20, s25, s9, $0xb8;
	[tilespmem:$0x19720] =	vst v63  }
0xbc: {  	_ =	swait.ge [sflag:s14], $0x7D00  }
0xbd: {  	[sflag:s14] =	ssyncset.done $0x0  }
0xbe: {  	[sflag:s14] =	ssyncadd.s32 $0xFFFF8300  }
0xbf: {  	[tilespmem:s10], [sflag:$0x1] =	stream.indirect.gather [hbm4b:s8+s9], $0x20, s26, s9, $0xb8;
	[tilespmem:$0x19720] =	vst v63  }
0xc0: {  	_ =	swait.ge [sflag:s15], $0x7D00  }
0xc1: {  	[sflag:s15] =	ssyncset.done $0x0  }
0xc2: {  	[sflag:s15] =	ssyncadd.s32 $0xFFFF8300  }
0xc3: {  	[tilespmem:s11], [sflag:$0x2] =	stream.indirect.gather [hbm4b:s8+s9], $0x20, s28, s9, $0xb8;
	[tilespmem:$0x19720] =	vst v63  }
0xc4: {  	_ =	swait.ge [sflag:s12], $0x7D00  }
0xc5: {  	[sflag:s12] =	ssyncset.done $0x0  }
0xc6: {  	[sflag:s12] =	ssyncadd.s32 $0xFFFF8300  }
0xc7: {  	[spmem:s2] =	stream.indirect.scatter.add.f32 [tilespmem:s10], [sflag:$0x3], $0x20, s29, s9, $0xb8;
	[tilespmem:$0x19720] =	vst v63  }
0xc8: {  	_ =	swait.ge [sflag:s13], $0x7D00  }
0xc9: {  	[sflag:s13] =	ssyncset.done $0x0  }
0xca: {  	[sflag:s13] =	ssyncadd.s32 $0xFFFF8300  }
0xcb: {  	[spmem:s2] =	stream.indirect.scatter.add.f32 [tilespmem:s11], [sflag:$0x4], $0x20, s30, s9, $0xb8;
	[tilespmem:$0x19720] =	vst v63  }
0xcc: {  	_ =	swait.ge [sflag:s14], $0x7D00  }
0xcd: {  	[sflag:s14] =	ssyncset.done $0x0  }
0xce: {  	[sflag:s14] =	ssyncadd.s32 $0xFFFF8300  }
0xcf: {  	_ =	swait.ge [sflag:s15], $0x7D00  }
0xd0: {  	p0 =	sne.s32 s1, $0x1;
	[sflag:s15] =	ssyncset.done $0x0  }
.Ltmp1:
0xd1: {  	[sflag:s15] =	ssyncadd.s32 $0xFFFF8300;
	(pc) =	sbr.rel @p0 .LBB2_1-.Ltmp1, $4  }
0xd2: {  	[bflag:$0x0] =	sbarrier.arrive $0xFFFF  }
0xd3: {  	s0 =	rddreg [dreg:$0x6]  }
0xd4: {  	[hbm:s0@s31], [sflag:s6] =	dma.strided [spmem:s7@s15], $0x9E0, s12, $0x4   }
0xd5: {  	s1 =	sadd.s32 $0xFFFFFFFF, s1;
	_ =	swait.ge [sflag:s4], $0x9E0  }
.LBB2_2:
0xd6: {  	[sflag:s4] =	ssyncset.done $0x0  }
0xd7: {  	[sflag:s4] =	ssyncadd.s32 $0xFFFFF620  }
0xd8: {  	_ =	sfence.sel $0x180000  }
0xd9: {  	[bflag:$0x0] =	sbarrier.arrive $0xFFFF  }
0xda: {  	_ =	strace $0x9000004A  }
0xdb: {  	s0 =	stileid.u32;
	[bflag:$0x2] =	sbarrier.arrive $0xFFFF  }
0xdc: {  	p0 =	sne.s32 s0, $0x0;
	s0 =	rddreg [dreg:$0x2]  }
0xdd: {  	s0 =	sadd.s32 @!p0 $0x100000, s0  }
0xde: {  	[sflag:s0] =	ssyncadd.tile.s32 @!p0 $0x1;
	_ =	shalt  }
.Lfunc_end2:
_tile_overlayer_lowered:
.L_overlay_start_2:
0xdf: {  	(tag) =	ssettag $0x2  }
0xe0: {  	s0 =	rddreg [dreg:$0x0];
	s2 =	stileid.u32  }
0xe1: {  	s1 =	rddreg [dreg:$0x1];
	p0 =	sne.s32 s2, $0x0  }
0xe2: {  	s3 =	rddreg [dreg:$0x2];
	[bflag:$0x3] =	sbarrier.arrive $0xFFFF;
	s2 =	simm.s32 @!p0 $0x1C05  }
0xe3: {  	[timem:s3], [sflag:s2] =	dma.local @!p0 [hbm:s0], s1  }
0xe4: {  	s0 =	simm.s32 @!p0 $0x5  }
0xe5: {  	_ =	swait.ge @!p0 [sflag:s0], s1  }
0xe6: {  	s1 =	ssub.s32 @!p0 $0x0, s1;
	[sflag:s0] =	ssyncset.done @!p0 $0x0  }
0xe7: {  	[sflag:s0] =	ssyncadd.s32 @!p0 s1  }
0xe8: {  	[bflag:$0x3] =	sbarrier.arrive $0xFFFF  }
0xe9: {  	_ =	shalt  }

// kernel: kernel.15.cloned.1.call-start
scs
__scs_entry_jumppad:
0x0: {  	(pc) =	sbr.rel $0x88, $3  }
0x1: {  	(tag) =	ssettag $0x0;
	lr =	simm.s32 $0x1  }
0x2: {  	[smem:$0x3F99] =	sst lr;
	_ =	strace $0xD0000000  }
0x3: {  	_ = 	snop  }
0x4: {  	_ = 	snop  }
0x5: {  	_ = 	snop  }
0x6: {  	_ = 	snop  }
0x7: {  	_ = 	snop  }
__scs_overlays_trampoline_lowered:
0x8: {  	[smem:$0x3FA8] =	sst s0  }
0x9: {  	[smem:$0x3FA9] =	sst s1  }
0xa: {  	[smem:$0x3FAA] =	sst s2  }
0xb: {  	[smem:$0x3FAB] =	sst s3  }
0xc: {  	[smem:$0x3FAC] =	sst s4  }
0xd: {  	[smem:$0x3FAD] =	sst s5  }
0xe: {  	[smem:$0x3FAE] =	sst s6  }
0xf: {  	[smem:$0x3FAF] =	sst s7  }
0x10: {  	[smem:$0x3FB0] =	sst s8  }
0x11: {  	[smem:$0x3FB1] =	sst s9;
	s0 =	simm.s32 @!p0 $0x0  }
0x12: {  	s1 =	sld [smem:$0x3F97];
	s0 =	simm.s32 @p0 $0x1  }
0x13: {  	[smem:$0x3FB2] =	sst s0;
	s0 =	simm.s32 @!p1 $0x0  }
0x14: {  	s2 =	sld [smem:$0x3F96];
	s0 =	simm.s32 @p1 $0x1  }
0x15: {  	[smem:$0x3FB3] =	sst s0;
	s0 =	simm.s32 @!p2 $0x0  }
0x16: {  	s3 =	sld [smem:$0x3FDB];
	s0 =	simm.s32 @p2 $0x1  }
0x17: {  	s4 =	simm.s32 $0x1BF5;
	[smem:$0x3FB5] =	sst s0  }
0x18: {  	s0 =	sld [smem:$0x3F98];
	_ =	swait.ge [sflag:s4], $0x0  }
0x19: {  	s7 =	sld [smem:$0x3F99]  }
0x1a: {  	s8 =	sadd.s32 $0xFFFFE003, lr  }
0x1b: {  	s9 =	sadd.s32 $0xFFFFFEF7, lr;
	s5 =	simm.s32 $0xFFFFFFFF;
	p2 =	slt.u32 s8, $0xFFFFF086  }
0x1c: {  	p1 =	slt.u32 s9, $0xF7A;
	s5 =	simm.s32 @!p2 $0x0  }
0x1d: {  	s5 =	simm.s32 @p1 $0x1;
	p0 =	seq.s32 s7, s2  }
0x1e: {  	s7 =	smul.u32 @!p0 $0xF7A, s2;
	p2 =	seq.s32 @!p0 s5, $0x0  }
0x1f: {  	s9 =	smul.u32 $0xF7A, s1;
	s8 =	simm.s32 @!p0 $0x1BF5;
	p2 =	por !p2, p0  }
0x20: {  	[sflag:s8] =	ssyncset.s32 @!p0 $0xFFFFF086;
	s6 =	sadd.s32 @!p0 s3, s7;
	s7 =	simm.s32 @!p0 $0x108  }
0x21: {  	s3 =	sadd.s32 s3, s9;
	s6 =	sadd.s32 @!p0 $0x88, s6;
	s7 =	simm.s32 @p2 $0x1082  }
0x22: {  	[simem:s7], [sflag:s8] =	dma.local @!p0 [hbm:s6], $0xF7A  }
0x23: {  	s9 =	sor.u32 $0xD0000000, s2;
	s6 =	simm.s32 $0x108;
	_ =	swait.ge @!p0 [sflag:s8], $0x0  }
0x24: {  	s3 =	sadd.s32 $0x88, s3;
	s6 =	simm.s32 @!p1 $0x1082;
	[sflag:s4] =	ssyncset.s32 $0xFFFFF086  }
0x25: {  	[simem:s6], [sflag:s4] =	dma.local [hbm:s3], $0xF7A  }
0x26: {  	[smem:$0x3F99] =	sst s1;
	(tag) =	ssettag s2;
	_ =	strace s9  }
0x27: {  	s1 =	sld [smem:$0x3FA9]  }
0x28: {  	s2 =	sld [smem:$0x3FAA]  }
0x29: {  	s4 =	sld [smem:$0x3FAC]  }
0x2a: {  	p0 =	seq.s32 s5, $0x0;
	s5 =	sld [smem:$0x3FAD]  }
0x2b: {  	s6 =	sld [smem:$0x3FAE]  }
0x2c: {  	s7 =	sld [smem:$0x3FAF]  }
0x2d: {  	s3 =	simm.s32 $0x108;
	s8 =	sld [smem:$0x3FB0]  }
0x2e: {  	s3 =	simm.s32 @!p0 $0x1082;
	s9 =	sld [smem:$0x3FB1]  }
0x2f: {  	lr =	sadd.s32 s0, s3;
	s0 =	sld [smem:$0x3FA8]  }
0x30: {  	s3 =	sld [smem:$0x3FAB]  }
0x31: {  	[smem:$0x3FB4] =	sst s10  }
0x32: {  	s10 =	sld [smem:$0x3FB2];
	_ =	sdelay $0x3  }
0x33: {  	p0 =	seq.s32 s10, $0x1;
	s10 =	sld [smem:$0x3FB4];
	_ =	sdelay $0x3  }
0x34: {  	[smem:$0x3FB4] =	sst s10  }
0x35: {  	s10 =	sld [smem:$0x3FB3];
	_ =	sdelay $0x3  }
0x36: {  	p1 =	seq.s32 s10, $0x1;
	s10 =	sld [smem:$0x3FB4];
	_ =	sdelay $0x3  }
0x37: {  	[smem:$0x3FB4] =	sst s10  }
0x38: {  	s10 =	sld [smem:$0x3FB5]  }
0x39: {  	_ = 	snop;
	(pc) =	sbr.ind lr, $3  }
0x3a: {  	_ = 	snop  }
0x3b: {  	_ = 	snop  }
0x3c: {  	p2 =	seq.s32 s10, $0x1;
	s10 =	sld [smem:$0x3FB4]  }
0x3d: {  	_ =	shalt  }
0x3e: {  	_ =	shalt  }
0x3f: {  	_ =	shalt  }
0x40: {  	_ =	shalt  }
0x41: {  	_ =	shalt  }
0x42: {  	_ =	shalt  }
0x43: {  	_ =	shalt  }
0x44: {  	_ =	shalt  }
0x45: {  	_ =	shalt  }
0x46: {  	_ =	shalt  }
0x47: {  	_ =	shalt  }
0x48: {  	_ =	shalt  }
0x49: {  	_ =	shalt  }
0x4a: {  	_ =	shalt  }
0x4b: {  	_ =	shalt  }
0x4c: {  	_ =	shalt  }
0x4d: {  	_ =	shalt  }
0x4e: {  	_ =	shalt  }
0x4f: {  	_ =	shalt  }
0x50: {  	_ =	shalt  }
0x51: {  	_ =	shalt  }
0x52: {  	_ =	shalt  }
0x53: {  	_ =	shalt  }
0x54: {  	_ =	shalt  }
0x55: {  	_ =	shalt  }
0x56: {  	_ =	shalt  }
0x57: {  	_ =	shalt  }
0x58: {  	_ =	shalt  }
0x59: {  	_ =	shalt  }
0x5a: {  	_ =	shalt  }
0x5b: {  	_ =	shalt  }
0x5c: {  	_ =	shalt  }
0x5d: {  	_ =	shalt  }
0x5e: {  	_ =	shalt  }
0x5f: {  	_ =	shalt  }
0x60: {  	_ =	shalt  }
0x61: {  	_ =	shalt  }
0x62: {  	_ =	shalt  }
0x63: {  	_ =	shalt  }
0x64: {  	_ =	shalt  }
0x65: {  	_ =	shalt  }
0x66: {  	_ =	shalt  }
0x67: {  	_ =	shalt  }
0x68: {  	_ =	shalt  }
0x69: {  	_ =	shalt  }
0x6a: {  	_ =	shalt  }
0x6b: {  	_ =	shalt  }
0x6c: {  	_ =	shalt  }
0x6d: {  	_ =	shalt  }
0x6e: {  	_ =	shalt  }
0x6f: {  	_ =	shalt  }
0x70: {  	_ =	shalt  }
0x71: {  	_ =	shalt  }
0x72: {  	_ =	shalt  }
0x73: {  	_ =	shalt  }
0x74: {  	_ =	shalt  }
0x75: {  	_ =	shalt  }
0x76: {  	_ =	shalt  }
0x77: {  	_ =	shalt  }
0x78: {  	_ =	shalt  }
0x79: {  	_ =	shalt  }
0x7a: {  	_ =	shalt  }
0x7b: {  	_ =	shalt  }
0x7c: {  	_ =	shalt  }
0x7d: {  	_ =	shalt  }
0x7e: {  	_ =	shalt  }
0x7f: {  	_ =	shalt  }
0x80: {  	_ =	shalt  }
0x81: {  	_ =	shalt  }
0x82: {  	_ =	shalt  }
0x83: {  	_ =	shalt  }
0x84: {  	_ =	shalt  }
0x85: {  	_ =	shalt  }
0x86: {  	_ =	shalt  }
0x87: {  	_ =	shalt  }
.Lfunc_end0:
.L_simem_size_0:
called_computation.2_lowered:
.L_overlay_start_0:
0x88: {  	s2 =	sld [smem:$0x3FD9]  }
0x89: {  	s3 =	sld [smem:$0x3FFE];
	_ =	sdelay $0x1  }
0x8a: {  	s1 =	srdreg.scid  }
0x8b: {  	s0 =	sand.u32 $0x1, s1  }
0x8c: {  	s16 =	sshll.u32 s0, $0xA;
	s2 =	sadd.s32 s3, s2  }
0x8d: {  	s2 =	sadd.s32 s2, s16  }
0x8e: {  	[smem:$0x3FC0] =	sst s2  }
0x8f: {  	_ = 	snop  }
0x90: {  	(tm) =	ssettm $0x1  }
0x91: {  	s17 =	sld [smem:$0x3FFB];
	_ =	sdelay $0x3  }
0x92: {  	_ =	strace s17  }
0x93: {  	s2 =	sld [smem:$0x3FFC];
	_ =	sdelay $0x3  }
0x94: {  	_ =	strace s2  }
0x95: {  	s2 =	sld [smem:$0x3FFD];
	_ =	sdelay $0x3  }
0x96: {  	_ =	strace s2  }
0x97: {  	_ =	strace $0x8FFFFFFF  }
0x98: {  	s18 =	sld [smem:$0x3FDB];
	_ =	sdelay $0x1  }
0x99: {  	s19 =	simm.s32 $_scs_section_size  }
0x9a: {  	s4 =	simm.s32 $_size__tile_overlayer_lowered;
	s5 =	simm.s32 $_tile_overlayer_lowered  }
0x9b: {  	s22 =	simm.s32 $0x1BFF;
	s21 =	sshll.u32 s5, $0x1;
	s2 =	sadd.s32 s19, s18  }
0x9c: {  	s6 =	simm.s32 $0x0;
	s20 =	sshll.u32 s4, $0x1;
	s4 =	sadd.s32 s21, s2  }
0x9d: {  	[timem:s6], [sflag:s22] =	dma.local [hbm:s4], s20  }
0x9e: {  	_ =	swait.ge [sflag:s22], s20  }
0x9f: {  	s3 =	ssub.s32 $0x0, s20;
	[sflag:s22] =	ssyncset.done $0x0  }
0xa0: {  	[sflag:s22] =	ssyncadd.s32 s3;
	_ =	sdelay $0x1  }
0xa1: {  	s23 =	simm.s32 $0x1B8B  }
0xa2: {  	_ =	swait.ge [sflag:s23], $0x1  }
0xa3: {  	[sflag:s23] =	ssyncset.done $0x0  }
0xa4: {  	s25 =	simm.s32 $0x1B8E;
	s24 =	sld [smem:$0x3FFE];
	[sflag:s23] =	ssyncadd.s32 $0xFFFFFFFF  }
0xa5: {  	s26 =	simm.s32 $execute0_lowered;
	[smem:$0x3FD2] =	sst s25  }
0xa6: {  	s4 =	sshll.u32 s26, $0x1;
	_ =	strace $0x8000004C;
	[dreg:$0x1] =	wrdreg $0xFFFFFFFF  }
0xa7: {  	s28 =	simm.s32 $_size_execute0_lowered;
	s2 =	sadd.s32 s2, s4;
	[dreg:$0x0] =	wrdreg $0x0  }
0xa8: {  	s4 =	sshll.u32 s28, $0x1;
	[dreg:$0x2] =	wrdreg s2  }
0xa9: {  	[dreg:$0x3] =	wrdreg s4  }
0xaa: {  	[dreg:$0x4] =	wrdreg $0xC0  }
0xab: {  	_ =	task [dreg:s6], $0x5FFFF  }
0xac: {  	[dreg:$0x1] =	wrdreg $0xFFFFFFFF  }
0xad: {  	[dreg:$0x0] =	wrdreg $0x60  }
0xae: {  	[dreg:$0x2] =	wrdreg s24  }
0xaf: {  	[dreg:$0x3] =	wrdreg $0x11A300  }
0xb0: {  	[dreg:$0x4] =	wrdreg $0xF3200  }
0xb1: {  	[dreg:$0x5] =	wrdreg $0x9  }
0xb2: {  	_ =	task.clear_ibuf [dreg:s6], $0x6FFFF;
	_ =	strace $0x9000004C  }
0xb3: {  	s29 =	simm.s32 $0x9;
	_ =	strace $0x8000004E  }
0xb4: {  	_ =	swait.ge [sflag:s29], $0x1  }
0xb5: {  	[sflag:s29] =	ssyncadd.s32 $0xFFFFFFFF  }
0xb6: {  	_ =	strace $0x9000004E  }
0xb7: {  	_ =	sfence  }
0xb8: {  	s30 =	sld [smem:$0x0];
	_ =	sdelay $0x2  }
0xb9: {  	s31 =	sshll.u32 s1, $0xD;
	s1 =	sshrl.u32 s1, $0x2  }
0xba: {  	s3 =	sand.u32 $0x4000, s31;
	s1 =	sadd.s32 s1, s30  }
0xbb: {  	s0 =	sor.u32 s3, s0;
	s1 =	sshll.u32 s1, $0x11  }
0xbc: {  	s0 =	sor.u32 s1, s0  }
0xbd: {  	s0 =	sadd.s32 $0x8F2B, s0  }
0xbe: {  	[sflag:s0] =	ssyncadd.remote.s32 $0x1  }
0xbf: {  	_ =	sfence.sel $0xFFFF  }
0xc0: {  	[dreg:$0x0] =	wrdreg $0xFFFFFFFF;
	(pc) =	sbr.abs _section_cstart, $3  }
0xc1: {  	[dreg:$0x1] =	wrdreg $0xFFFFFFFF  }
0xc2: {  	_ =	task.clear_ibuf [dreg:s6], $0x2FFFF;
	_ =	strace $0x9FFFFFFF  }
0xc3: {  	(tm) =	ssettm $0x7FFFFFFF  }
tec
execute0_lowered:
.L_overlay_start_1:
0x0: {  	(tag) =	ssettag $0x1  }
0x1: {  	s1 =	rddreg [dreg:$0x0]  }
0x2: {  	s2 =	rddreg [dreg:$0x1]  }
0x3: {  	s0 =	srdreg.scid;
	s3 =	rddreg [dreg:$0x2]  }
0x4: {  	s25 =	stileid.u32;
	s26 =	rddreg [dreg:$0x3]  }
0x5: {  	s18 =	simm.s32 $0x0;
	s15 =	simm.s32 $0x2AF8;
	s23 =	simm.s32 $0x2710  }
0x6: {  	s16 =	simm.s32 $0x7D0;
	s19 =	simm.s32 $0xBB8;
	s20 =	simm.s32 $0x2EE0  }
0x7: {  	s21 =	simm.s32 $0x32C8;
	[smem:$0x7FF] =	sst s18;
	s12 =	sadd.s32 $0x25800, s3  }
0x8: {  	s22 =	simm.s32 $0xFA0;
	_ =	strace $0x8000004D;
	[dreg:$0xa] =	wrdreg s12  }
0x9: {  	s24 =	simm.s32 $0x1388;
	s6 =	smul.u32 $0x2800, s25;
	[dreg:$0xc] =	wrdreg s15  }
0xa: {  	s28 =	simm.s32 $0x1B58;
	s7 =	smul.u32 $0x2780, s25;
	[dreg:$0xd] =	wrdreg s16  }
0xb: {  	p1 =	por $0x0, $0x0;
	s8 =	smul.u32 $0x13C00, s25;
	[dreg:$0xe] =	wrdreg s19  }
0xc: {  	s0 =	sand.u32 $0x1, s0;
	s30 =	smul.u32 $0xA000, s25;
	[dreg:$0xf] =	wrdreg s20  }
0xd: {  	p0 =	seq.s32 s25, $0xF;
	s17 =	sshll.u32 s25, $0x6;
	[dreg:$0x10] =	wrdreg s21  }
0xe: {  	s4 =	sshll.u32 s0, $0x4;
	s0 =	ssub.s32 $0x2, s0;
	[dreg:$0x11] =	wrdreg s22  }
0xf: {  	[dreg:$0x12] =	wrdreg s24;
	s12 =	simm.s32 $0x4;
	s22 =	simm.s32 $0x3E80  }
0x10: {  	s21 =	simm.s32 $0x4268;
	s20 =	simm.s32 $0x1F40;
	s19 =	simm.s32 $0x2328  }
0x11: {  	s16 =	simm.s32 $0x4A38;
	s15 =	simm.s32 $0x10;
	s5 =	sor.u32 s25, s4  }
0x12: {  	s6 =	sadd.s32 s6, s1;
	s9 =	sshrl.u32 s7, $0x3;
	s4 =	sor.u32 s4, s8  }
0x13: {  	s11 =	sshrl.u32 s0, $0x1;
	s14 =	sadd.s32 s7, s2;
	s7 =	simm.s32 $0x3E8  }
0x14: {  	s8 =	simm.s32 $0x1;
	s5 =	smul.u32 $0x2710, s5;
	s9 =	sadd.s32 s9, s1  }
0x15: {  	s4 =	sshrl.u32 s4, $0x3;
	s6 =	sadd.s32 $0x16C00, s6;
	s0 =	ssub.s32 s0, s11  }
0x16: {  	s11 =	simm.s32 $0x4E20;
	s31 =	sadd.s32 $0x3DE00, s9;
	s9 =	sshrl.u32 s30, $0x2  }
0x17: {  	s4 =	sadd.s32 s4, s1;
	[dreg:$0x7] =	wrdreg s6;
	s0 =	smax.u32 s0, $0x1  }
0x18: {  	s6 =	sshrl.u32 s14, $0x3;
	s30 =	simm.s32 $0x3A98;
	[dreg:$0x6] =	wrdreg s31  }
0x19: {  	s5 =	sshrl.u32 s5, $0x3;
	s10 =	sadd.s32 s9, s3;
	[dreg:$0x14] =	wrdreg s30  }
0x1a: {  	s13 =	sadd.s32 $0x42E00, s4;
	s31 =	simm.s32 $0x1770;
	[dreg:$0x8] =	wrdreg s10  }
0x1b: {  	s0 =	sadd.s32 $0xFFFFFFFF, s0;
	s5 =	sadd.s32 s5, s1;
	[dreg:$0xb] =	wrdreg s13  }
0x1c: {  	s1 =	sadd.s32 $0x3C400, s1;
	[dreg:$0x15] =	wrdreg s31;
	p2 =	sne.s32 s0, $0x0  }
.Ltmp0:
0x1d: {  	s29 =	sadd.s32 $0x3200, s5;
	[dreg:$0x9] =	wrdreg s1;
	(pc) =	sbr.rel @!p2 .LBB2_5-.Ltmp0, $4  }
0x1e: {  	s4 =	simm.s32 $0x5;
	s5 =	sadd.s32 $0xCE40, s5;
	[dreg:$0x4] =	wrdreg s29  }
0x1f: {  	s9 =	simm.s32 $0x2;
	[dreg:$0x5] =	wrdreg s5;
	s29 =	simm.s32 $0x36B0  }
0x20: {  	s10 =	simm.s32 $0x8CA0;
	s13 =	simm.s32 $0x3;
	[dreg:$0x13] =	wrdreg s29  }
0x21: {  	s5 =	sor.u32 $0x1C05, s17;
	s17 =	simm.s32 $0x4650;
	s14 =	rddreg [dreg:$0x4]  }
0x22: {  	[tilespmem:s18], [sflag:$0x5] =	stream.linear.gather [hbm4b:s14+s18], $0x2710, $0x38;
	[tilespmem:$0x141B0] =	vst v63  }
0x23: {  	_ =	swait.ge [sflag:s4], $0x2710  }
0x24: {  	[sflag:s4] =	ssyncset.done $0x0  }
0x25: {  	s1 =	rddreg [dreg:$0x5];
	[sflag:s4] =	ssyncadd.s32 $0xFFFFD8F0  }
0x26: {  	[tilespmem:s23], [sflag:$0x5] =	stream.linear.gather [hbm4b:s1+s18], $0x2710, $0x38;
	[tilespmem:$0x141B0] =	vst v63  }
0x27: {  	_ =	swait.ge [sflag:s4], $0x2710  }
0x28: {  	[sflag:s4] =	ssyncset.done $0x0  }
0x29: {  	s15 =	rddreg [dreg:$0x6];
	[sflag:s4] =	ssyncadd.s32 $0xFFFFD8F0  }
0x2a: {  	[spmem:s6], [sflag:s5] =	dma.local [hbm:s15], $0x4F0  }
0x2b: {  	s24 =	simm.s32 @p0 $0xCB20;
	_ =	swait.ge [sflag:s4], $0x4F0  }
0x2c: {  	s25 =	simm.s32 @p0 $0x5;
	s14 =	simm.s32 @p0 $0x10;
	[sflag:s4] =	ssyncset.done $0x0  }
0x2d: {  	s28 =	simm.s32 @p0 $0x80;
	s1 =	rddreg [dreg:$0x9];
	[sflag:s4] =	ssyncadd.s32 $0xFFFFFB10  }
0x2e: {  	[tilespmem:s24], [sflag:$0x5] =	stream.strided.gather @p0 [hbm4b:s1+s14], $0x1900, s28, s14, $0x38;
	[tilespmem:$0x141B0] =	vst v63  }
0x2f: {  	_ =	swait.ge @p0 [sflag:s25], $0x1900  }
0x30: {  	[sflag:s25] =	ssyncset.done @p0 $0x0  }
0x31: {  	s1 =	rddreg [dreg:$0xa];
	[sflag:s25] =	ssyncadd.s32 @p0 $0xFFFFE700  }
0x32: {  	[spmem:s1] =	stream.linear.scatter @p0 [tilespmem:s24], [sflag:$0x5], $0x1900, $0x38;
	[tilespmem:$0x141B0] =	vst v63  }
0x33: {  	s29 =	simm.s32 @!p0 $0xCB20;
	_ =	swait.ge @p0 [sflag:s25], $0x1900  }
0x34: {  	s30 =	simm.s32 @!p0 $0x5;
	s16 =	simm.s32 @!p0 $0x80;
	[sflag:s25] =	ssyncset.done @p0 $0x0  }
0x35: {  	s15 =	simm.s32 @!p0 $0x10;
	s14 =	rddreg [dreg:$0x7];
	[sflag:s25] =	ssyncadd.s32 @p0 $0xFFFFE700  }
0x36: {  	[tilespmem:s29], [sflag:$0x5] =	stream.strided.gather @!p0 [hbm4b:s14+s15], $0x2800, s16, s15, $0x38;
	[tilespmem:$0x141B0] =	vst v63  }
0x37: {  	_ =	swait.ge @!p0 [sflag:s30], $0x2800  }
0x38: {  	[sflag:s30] =	ssyncset.done @!p0 $0x0  }
0x39: {  	s14 =	rddreg [dreg:$0x8];
	[sflag:s30] =	ssyncadd.s32 @!p0 $0xFFFFD800  }
0x3a: {  	[spmem:s14] =	stream.linear.scatter @!p0 [tilespmem:s29], [sflag:$0x5], $0x2800, $0x38;
	[tilespmem:$0x141B0] =	vst v63  }
0x3b: {  	_ =	swait.ge @!p0 [sflag:s30], $0x2800  }
0x3c: {  	[sflag:s30] =	ssyncset.done @!p0 $0x0  }
0x3d: {  	[sflag:s30] =	ssyncadd.s32 @!p0 $0xFFFFD800  }
0x3e: {  	[bflag:$0x0] =	sbarrier.arrive $0xFFFF  }
0x3f: {  	[tilespmem:s11], [sflag:$0x1] =	stream.indirect.gather [spmem:s3], $0x10, s18, s7, $0xb8;
	[tilespmem:$0x141B0] =	vst v63  }
0x40: {  	_ = 	snop  }
0x41: {  	[tilespmem:s10], [sflag:$0x2] =	stream.indirect.gather [spmem:s3], $0x10, s7, s7, $0xb8;
	[tilespmem:$0x141B0] =	vst v63  }
0x42: {  	_ =	swait.ge [sflag:s8], $0x3E80  }
0x43: {  	[sflag:s8] =	ssyncset.done $0x0  }
0x44: {  	[sflag:s8] =	ssyncadd.s32 $0xFFFFC180  }
0x45: {  	[spmem:s2] =	stream.indirect.scatter.add.f32 [tilespmem:s11], [sflag:$0x3], $0x10, s23, s7, $0xb8;
	[tilespmem:$0x141B0] =	vst v63  }
0x46: {  	_ =	swait.ge [sflag:s9], $0x3E80  }
0x47: {  	[sflag:s9] =	ssyncset.done $0x0  }
0x48: {  	s16 =	rddreg [dreg:$0xc];
	[sflag:s9] =	ssyncadd.s32 $0xFFFFC180  }
0x49: {  	[spmem:s2] =	stream.indirect.scatter.add.f32 [tilespmem:s10], [sflag:$0x4], $0x10, s16, s7, $0xb8;
	[tilespmem:$0x141B0] =	vst v63  }
0x4a: {  	_ =	swait.ge [sflag:s13], $0x3E80  }
0x4b: {  	[sflag:s13] =	ssyncset.done $0x0  }
0x4c: {  	s15 =	rddreg [dreg:$0xd];
	[sflag:s13] =	ssyncadd.s32 $0xFFFFC180  }
0x4d: {  	[tilespmem:s11], [sflag:$0x1] =	stream.indirect.gather [spmem:s3], $0x10, s15, s7, $0xb8;
	[tilespmem:$0x141B0] =	vst v63  }
0x4e: {  	_ =	swait.ge [sflag:s12], $0x3E80  }
0x4f: {  	[sflag:s12] =	ssyncset.done $0x0  }
0x50: {  	s16 =	rddreg [dreg:$0xe];
	[sflag:s12] =	ssyncadd.s32 $0xFFFFC180  }
0x51: {  	[tilespmem:s10], [sflag:$0x2] =	stream.indirect.gather [spmem:s3], $0x10, s16, s7, $0xb8;
	[tilespmem:$0x141B0] =	vst v63  }
0x52: {  	_ =	swait.ge [sflag:s8], $0x3E80  }
0x53: {  	[sflag:s8] =	ssyncset.done $0x0  }
0x54: {  	s15 =	rddreg [dreg:$0xf];
	[sflag:s8] =	ssyncadd.s32 $0xFFFFC180  }
0x55: {  	[spmem:s2] =	stream.indirect.scatter.add.f32 [tilespmem:s11], [sflag:$0x3], $0x10, s15, s7, $0xb8;
	[tilespmem:$0x141B0] =	vst v63  }
0x56: {  	_ =	swait.ge [sflag:s9], $0x3E80  }
0x57: {  	[sflag:s9] =	ssyncset.done $0x0  }
0x58: {  	s16 =	rddreg [dreg:$0x10];
	[sflag:s9] =	ssyncadd.s32 $0xFFFFC180  }
0x59: {  	[spmem:s2] =	stream.indirect.scatter.add.f32 [tilespmem:s10], [sflag:$0x4], $0x10, s16, s7, $0xb8;
	[tilespmem:$0x141B0] =	vst v63  }
0x5a: {  	_ =	swait.ge [sflag:s13], $0x3E80  }
0x5b: {  	[sflag:s13] =	ssyncset.done $0x0  }
0x5c: {  	s15 =	rddreg [dreg:$0x11];
	[sflag:s13] =	ssyncadd.s32 $0xFFFFC180  }
0x5d: {  	[tilespmem:s11], [sflag:$0x1] =	stream.indirect.gather [spmem:s3], $0x10, s15, s7, $0xb8;
	[tilespmem:$0x141B0] =	vst v63  }
0x5e: {  	_ =	swait.ge [sflag:s12], $0x3E80  }
0x5f: {  	[sflag:s12] =	ssyncset.done $0x0  }
0x60: {  	s16 =	rddreg [dreg:$0x12];
	[sflag:s12] =	ssyncadd.s32 $0xFFFFC180  }
0x61: {  	[tilespmem:s10], [sflag:$0x2] =	stream.indirect.gather [spmem:s3], $0x10, s16, s7, $0xb8;
	[tilespmem:$0x141B0] =	vst v63  }
0x62: {  	_ =	swait.ge [sflag:s8], $0x3E80  }
0x63: {  	[sflag:s8] =	ssyncset.done $0x0  }
0x64: {  	s15 =	rddreg [dreg:$0x13];
	[sflag:s8] =	ssyncadd.s32 $0xFFFFC180  }
0x65: {  	[spmem:s2] =	stream.indirect.scatter.add.f32 [tilespmem:s11], [sflag:$0x3], $0x10, s15, s7, $0xb8;
	[tilespmem:$0x141B0] =	vst v63  }
0x66: {  	_ =	swait.ge [sflag:s9], $0x3E80  }
0x67: {  	[sflag:s9] =	ssyncset.done $0x0  }
0x68: {  	s16 =	rddreg [dreg:$0x14];
	[sflag:s9] =	ssyncadd.s32 $0xFFFFC180  }
0x69: {  	[spmem:s2] =	stream.indirect.scatter.add.f32 [tilespmem:s10], [sflag:$0x4], $0x10, s16, s7, $0xb8;
	[tilespmem:$0x141B0] =	vst v63  }
0x6a: {  	_ =	swait.ge [sflag:s13], $0x3E80  }
0x6b: {  	[sflag:s13] =	ssyncset.done $0x0  }
0x6c: {  	s15 =	rddreg [dreg:$0x15];
	[sflag:s13] =	ssyncadd.s32 $0xFFFFC180  }
0x6d: {  	[tilespmem:s11], [sflag:$0x1] =	stream.indirect.gather [spmem:s3], $0x10, s15, s7, $0xb8;
	[tilespmem:$0x141B0] =	vst v63  }
0x6e: {  	_ =	swait.ge [sflag:s12], $0x3E80  }
0x6f: {  	[sflag:s12] =	ssyncset.done $0x0  }
0x70: {  	s26 =	simm.s32 $0x1B58;
	[sflag:s12] =	ssyncadd.s32 $0xFFFFC180  }
0x71: {  	[tilespmem:s10], [sflag:$0x2] =	stream.indirect.gather [spmem:s3], $0x10, s26, s7, $0xb8;
	[tilespmem:$0x141B0] =	vst v63  }
0x72: {  	_ =	swait.ge [sflag:s8], $0x3E80  }
0x73: {  	[sflag:s8] =	ssyncset.done $0x0  }
0x74: {  	s22 =	simm.s32 $0x3E80;
	[sflag:s8] =	ssyncadd.s32 $0xFFFFC180  }
0x75: {  	[spmem:s2] =	stream.indirect.scatter.add.f32 [tilespmem:s11], [sflag:$0x3], $0x10, s22, s7, $0xb8;
	[tilespmem:$0x141B0] =	vst v63  }
0x76: {  	_ =	swait.ge [sflag:s9], $0x3E80  }
0x77: {  	[sflag:s9] =	ssyncset.done $0x0  }
0x78: {  	s21 =	simm.s32 $0x4268;
	[sflag:s9] =	ssyncadd.s32 $0xFFFFC180  }
0x79: {  	[spmem:s2] =	stream.indirect.scatter.add.f32 [tilespmem:s10], [sflag:$0x4], $0x10, s21, s7, $0xb8;
	[tilespmem:$0x141B0] =	vst v63  }
0x7a: {  	_ =	swait.ge [sflag:s13], $0x3E80  }
0x7b: {  	[sflag:s13] =	ssyncset.done $0x0  }
0x7c: {  	s20 =	simm.s32 $0x1F40;
	[sflag:s13] =	ssyncadd.s32 $0xFFFFC180  }
0x7d: {  	[tilespmem:s11], [sflag:$0x1] =	stream.indirect.gather [spmem:s3], $0x10, s20, s7, $0xb8;
	[tilespmem:$0x141B0] =	vst v63  }
0x7e: {  	_ =	swait.ge [sflag:s12], $0x3E80  }
0x7f: {  	[sflag:s12] =	ssyncset.done $0x0  }
0x80: {  	s19 =	simm.s32 $0x2328;
	[sflag:s12] =	ssyncadd.s32 $0xFFFFC180  }
0x81: {  	[tilespmem:s10], [sflag:$0x2] =	stream.indirect.gather [spmem:s3], $0x10, s19, s7, $0xb8;
	[tilespmem:$0x141B0] =	vst v63  }
0x82: {  	_ =	swait.ge [sflag:s8], $0x3E80  }
0x83: {  	[sflag:s8] =	ssyncset.done $0x0  }
0x84: {  	s17 =	simm.s32 $0x4650;
	[sflag:s8] =	ssyncadd.s32 $0xFFFFC180  }
0x85: {  	[spmem:s2] =	stream.indirect.scatter.add.f32 [tilespmem:s11], [sflag:$0x3], $0x10, s17, s7, $0xb8;
	[tilespmem:$0x141B0] =	vst v63  }
0x86: {  	_ =	swait.ge [sflag:s9], $0x3E80  }
0x87: {  	[sflag:s9] =	ssyncset.done $0x0  }
0x88: {  	s16 =	simm.s32 $0x4A38;
	[sflag:s9] =	ssyncadd.s32 $0xFFFFC180  }
0x89: {  	[spmem:s2] =	stream.indirect.scatter.add.f32 [tilespmem:s10], [sflag:$0x4], $0x10, s16, s7, $0xb8;
	[tilespmem:$0x141B0] =	vst v63  }
0x8a: {  	_ =	swait.ge [sflag:s13], $0x3E80  }
0x8b: {  	[sflag:s13] =	ssyncset.done $0x0  }
0x8c: {  	s31 =	simm.s32 $0x10;
	[sflag:s13] =	ssyncadd.s32 $0xFFFFC180  }
0x8d: {  	s0 =	sadd.s32 $0xFFFFFFFF, s0;
	p1 =	por $0x1, $0x1;
	_ =	swait.ge [sflag:s12], $0x3E80  }
0x8e: {  	p2 =	sne.s32 s0, $0x0;
	s28 =	simm.s32 $0x10;
	[sflag:s12] =	ssyncset.done $0x0  }
0x8f: {  	s1 =	simm.s32 @!p0 $0x80;
	s15 =	simm.s32 $0x1B58;
	[sflag:s12] =	ssyncadd.s32 $0xFFFFC180  }
.Ltmp1:
0x90: {  	s26 =	simm.s32 $0x3E80;
	[bflag:$0x0] =	sbarrier.arrive $0xFFFF;
	(pc) =	sbr.rel @!p2 .LBB2_2-.Ltmp1, $4  }
0x91: {  	s22 =	simm.s32 $0x4268;
	s21 =	simm.s32 $0x1F40;
	s16 =	rddreg [dreg:$0xb]  }
0x92: {  	[hbm:s16@s31], [sflag:s5] =	dma.strided [spmem:s6@s9], $0x4F0, s8, $0x2   }
0x93: {  	s20 =	simm.s32 $0x2328;
	s19 =	simm.s32 $0x4650;
	_ =	swait.ge [sflag:s4], $0x4F0  }
0x94: {  	s17 =	simm.s32 $0x4A38;
	s14 =	rddreg [dreg:$0x4];
	[sflag:s4] =	ssyncset.done $0x0  }
.LBB2_3:
0x95: {  	[sflag:s4] =	ssyncadd.s32 $0xFFFFFB10  }
0x96: {  	[tilespmem:s18], [sflag:$0x5] =	stream.linear.gather [hbm4b:s14+s18], $0x2710, $0x38;
	[tilespmem:$0x141B0] =	vst v63  }
0x97: {  	_ =	swait.ge [sflag:s4], $0x2710  }
0x98: {  	[sflag:s4] =	ssyncset.done $0x0  }
0x99: {  	s31 =	rddreg [dreg:$0x5];
	[sflag:s4] =	ssyncadd.s32 $0xFFFFD8F0  }
0x9a: {  	[tilespmem:s23], [sflag:$0x5] =	stream.linear.gather [hbm4b:s31+s18], $0x2710, $0x38;
	[tilespmem:$0x141B0] =	vst v63  }
0x9b: {  	_ =	swait.ge [sflag:s4], $0x2710  }
0x9c: {  	[sflag:s4] =	ssyncset.done $0x0  }
0x9d: {  	s16 =	rddreg [dreg:$0x6];
	[sflag:s4] =	ssyncadd.s32 $0xFFFFD8F0  }
0x9e: {  	[spmem:s6], [sflag:s5] =	dma.local [hbm:s16], $0x4F0  }
0x9f: {  	_ =	swait.ge [sflag:s4], $0x4F0  }
0xa0: {  	s31 =	simm.s32 @p0 $0x80;
	[sflag:s4] =	ssyncset.done $0x0  }
0xa1: {  	s16 =	simm.s32 @p0 $0x10;
	s14 =	rddreg [dreg:$0x9];
	[sflag:s4] =	ssyncadd.s32 $0xFFFFFB10  }
0xa2: {  	[tilespmem:s24], [sflag:$0x5] =	stream.strided.gather @p0 [hbm4b:s14+s16], $0x1900, s31, s16, $0x38;
	[tilespmem:$0x141B0] =	vst v63  }
0xa3: {  	_ =	swait.ge @p0 [sflag:s25], $0x1900  }
0xa4: {  	[sflag:s25] =	ssyncset.done @p0 $0x0  }
0xa5: {  	s14 =	rddreg [dreg:$0xa];
	[sflag:s25] =	ssyncadd.s32 @p0 $0xFFFFE700  }
0xa6: {  	[spmem:s14] =	stream.linear.scatter @p0 [tilespmem:s24], [sflag:$0x5], $0x1900, $0x38;
	[tilespmem:$0x141B0] =	vst v63  }
0xa7: {  	_ =	swait.ge @p0 [sflag:s25], $0x1900  }
0xa8: {  	[sflag:s25] =	ssyncset.done @p0 $0x0  }
0xa9: {  	s16 =	simm.s32 @!p0 $0x10;
	s14 =	rddreg [dreg:$0x7];
	[sflag:s25] =	ssyncadd.s32 @p0 $0xFFFFE700  }
0xaa: {  	[tilespmem:s29], [sflag:$0x5] =	stream.strided.gather @!p0 [hbm4b:s14+s16], $0x2800, s1, s16, $0x38;
	[tilespmem:$0x141B0] =	vst v63  }
0xab: {  	_ =	swait.ge @!p0 [sflag:s30], $0x2800  }
0xac: {  	[sflag:s30] =	ssyncset.done @!p0 $0x0  }
0xad: {  	s14 =	rddreg [dreg:$0x8];
	[sflag:s30] =	ssyncadd.s32 @!p0 $0xFFFFD800  }
0xae: {  	[spmem:s14] =	stream.linear.scatter @!p0 [tilespmem:s29], [sflag:$0x5], $0x2800, $0x38;
	[tilespmem:$0x141B0] =	vst v63  }
0xaf: {  	_ =	swait.ge @!p0 [sflag:s30], $0x2800  }
0xb0: {  	[sflag:s30] =	ssyncset.done @!p0 $0x0  }
0xb1: {  	[sflag:s30] =	ssyncadd.s32 @!p0 $0xFFFFD800  }
0xb2: {  	[bflag:$0x0] =	sbarrier.arrive $0xFFFF  }
0xb3: {  	[tilespmem:s11], [sflag:$0x1] =	stream.indirect.gather [spmem:s3], $0x10, s18, s7, $0xb8;
	[tilespmem:$0x141B0] =	vst v63  }
0xb4: {  	_ = 	snop  }
0xb5: {  	[tilespmem:s10], [sflag:$0x2] =	stream.indirect.gather [spmem:s3], $0x10, s7, s7, $0xb8;
	[tilespmem:$0x141B0] =	vst v63  }
0xb6: {  	_ =	swait.ge [sflag:s8], $0x3E80  }
0xb7: {  	[sflag:s8] =	ssyncset.done $0x0  }
0xb8: {  	[sflag:s8] =	ssyncadd.s32 $0xFFFFC180  }
0xb9: {  	[spmem:s2] =	stream.indirect.scatter.add.f32 [tilespmem:s11], [sflag:$0x3], $0x10, s23, s7, $0xb8;
	[tilespmem:$0x141B0] =	vst v63  }
0xba: {  	_ =	swait.ge [sflag:s9], $0x3E80  }
0xbb: {  	[sflag:s9] =	ssyncset.done $0x0  }
0xbc: {  	s31 =	rddreg [dreg:$0xc];
	[sflag:s9] =	ssyncadd.s32 $0xFFFFC180  }
0xbd: {  	[spmem:s2] =	stream.indirect.scatter.add.f32 [tilespmem:s10], [sflag:$0x4], $0x10, s31, s7, $0xb8;
	[tilespmem:$0x141B0] =	vst v63  }
0xbe: {  	_ =	swait.ge [sflag:s13], $0x3E80  }
0xbf: {  	[sflag:s13] =	ssyncset.done $0x0  }
0xc0: {  	s16 =	rddreg [dreg:$0xd];
	[sflag:s13] =	ssyncadd.s32 $0xFFFFC180  }
0xc1: {  	[tilespmem:s11], [sflag:$0x1] =	stream.indirect.gather [spmem:s3], $0x10, s16, s7, $0xb8;
	[tilespmem:$0x141B0] =	vst v63  }
0xc2: {  	_ =	swait.ge [sflag:s12], $0x3E80  }
0xc3: {  	[sflag:s12] =	ssyncset.done $0x0  }
0xc4: {  	s31 =	rddreg [dreg:$0xe];
	[sflag:s12] =	ssyncadd.s32 $0xFFFFC180  }
0xc5: {  	[tilespmem:s10], [sflag:$0x2] =	stream.indirect.gather [spmem:s3], $0x10, s31, s7, $0xb8;
	[tilespmem:$0x141B0] =	vst v63  }
0xc6: {  	_ =	swait.ge [sflag:s8], $0x3E80  }
0xc7: {  	[sflag:s8] =	ssyncset.done $0x0  }
0xc8: {  	s16 =	rddreg [dreg:$0xf];
	[sflag:s8] =	ssyncadd.s32 $0xFFFFC180  }
0xc9: {  	[spmem:s2] =	stream.indirect.scatter.add.f32 [tilespmem:s11], [sflag:$0x3], $0x10, s16, s7, $0xb8;
	[tilespmem:$0x141B0] =	vst v63  }
0xca: {  	_ =	swait.ge [sflag:s9], $0x3E80  }
0xcb: {  	[sflag:s9] =	ssyncset.done $0x0  }
0xcc: {  	s31 =	rddreg [dreg:$0x10];
	[sflag:s9] =	ssyncadd.s32 $0xFFFFC180  }
0xcd: {  	[spmem:s2] =	stream.indirect.scatter.add.f32 [tilespmem:s10], [sflag:$0x4], $0x10, s31, s7, $0xb8;
	[tilespmem:$0x141B0] =	vst v63  }
0xce: {  	_ =	swait.ge [sflag:s13], $0x3E80  }
0xcf: {  	[sflag:s13] =	ssyncset.done $0x0  }
0xd0: {  	s16 =	rddreg [dreg:$0x11];
	[sflag:s13] =	ssyncadd.s32 $0xFFFFC180  }
0xd1: {  	[tilespmem:s11], [sflag:$0x1] =	stream.indirect.gather [spmem:s3], $0x10, s16, s7, $0xb8;
	[tilespmem:$0x141B0] =	vst v63  }
0xd2: {  	_ =	swait.ge [sflag:s12], $0x3E80  }
0xd3: {  	[sflag:s12] =	ssyncset.done $0x0  }
0xd4: {  	s31 =	rddreg [dreg:$0x12];
	[sflag:s12] =	ssyncadd.s32 $0xFFFFC180  }
0xd5: {  	[tilespmem:s10], [sflag:$0x2] =	stream.indirect.gather [spmem:s3], $0x10, s31, s7, $0xb8;
	[tilespmem:$0x141B0] =	vst v63  }
0xd6: {  	_ =	swait.ge [sflag:s8], $0x3E80  }
0xd7: {  	[sflag:s8] =	ssyncset.done $0x0  }
0xd8: {  	s16 =	rddreg [dreg:$0x13];
	[sflag:s8] =	ssyncadd.s32 $0xFFFFC180  }
0xd9: {  	[spmem:s2] =	stream.indirect.scatter.add.f32 [tilespmem:s11], [sflag:$0x3], $0x10, s16, s7, $0xb8;
	[tilespmem:$0x141B0] =	vst v63  }
0xda: {  	_ =	swait.ge [sflag:s9], $0x3E80  }
0xdb: {  	[sflag:s9] =	ssyncset.done $0x0  }
0xdc: {  	s31 =	rddreg [dreg:$0x14];
	[sflag:s9] =	ssyncadd.s32 $0xFFFFC180  }
0xdd: {  	[spmem:s2] =	stream.indirect.scatter.add.f32 [tilespmem:s10], [sflag:$0x4], $0x10, s31, s7, $0xb8;
	[tilespmem:$0x141B0] =	vst v63  }
0xde: {  	_ =	swait.ge [sflag:s13], $0x3E80  }
0xdf: {  	[sflag:s13] =	ssyncset.done $0x0  }
0xe0: {  	s16 =	rddreg [dreg:$0x15];
	[sflag:s13] =	ssyncadd.s32 $0xFFFFC180  }
0xe1: {  	[tilespmem:s11], [sflag:$0x1] =	stream.indirect.gather [spmem:s3], $0x10, s16, s7, $0xb8;
	[tilespmem:$0x141B0] =	vst v63  }
0xe2: {  	_ =	swait.ge [sflag:s12], $0x3E80  }
0xe3: {  	[sflag:s12] =	ssyncset.done $0x0  }
0xe4: {  	[sflag:s12] =	ssyncadd.s32 $0xFFFFC180  }
0xe5: {  	[tilespmem:s10], [sflag:$0x2] =	stream.indirect.gather [spmem:s3], $0x10, s15, s7, $0xb8;
	[tilespmem:$0x141B0] =	vst v63  }
0xe6: {  	_ =	swait.ge [sflag:s8], $0x3E80  }
0xe7: {  	[sflag:s8] =	ssyncset.done $0x0  }
0xe8: {  	[sflag:s8] =	ssyncadd.s32 $0xFFFFC180  }
0xe9: {  	[spmem:s2] =	stream.indirect.scatter.add.f32 [tilespmem:s11], [sflag:$0x3], $0x10, s26, s7, $0xb8;
	[tilespmem:$0x141B0] =	vst v63  }
0xea: {  	_ =	swait.ge [sflag:s9], $0x3E80  }
0xeb: {  	[sflag:s9] =	ssyncset.done $0x0  }
0xec: {  	[sflag:s9] =	ssyncadd.s32 $0xFFFFC180  }
0xed: {  	[spmem:s2] =	stream.indirect.scatter.add.f32 [tilespmem:s10], [sflag:$0x4], $0x10, s22, s7, $0xb8;
	[tilespmem:$0x141B0] =	vst v63  }
0xee: {  	_ =	swait.ge [sflag:s13], $0x3E80  }
0xef: {  	[sflag:s13] =	ssyncset.done $0x0  }
0xf0: {  	[sflag:s13] =	ssyncadd.s32 $0xFFFFC180  }
0xf1: {  	[tilespmem:s11], [sflag:$0x1] =	stream.indirect.gather [spmem:s3], $0x10, s21, s7, $0xb8;
	[tilespmem:$0x141B0] =	vst v63  }
0xf2: {  	_ =	swait.ge [sflag:s12], $0x3E80  }
0xf3: {  	[sflag:s12] =	ssyncset.done $0x0  }
0xf4: {  	[sflag:s12] =	ssyncadd.s32 $0xFFFFC180  }
0xf5: {  	[tilespmem:s10], [sflag:$0x2] =	stream.indirect.gather [spmem:s3], $0x10, s20, s7, $0xb8;
	[tilespmem:$0x141B0] =	vst v63  }
0xf6: {  	_ =	swait.ge [sflag:s8], $0x3E80  }
0xf7: {  	[sflag:s8] =	ssyncset.done $0x0  }
0xf8: {  	[sflag:s8] =	ssyncadd.s32 $0xFFFFC180  }
0xf9: {  	[spmem:s2] =	stream.indirect.scatter.add.f32 [tilespmem:s11], [sflag:$0x3], $0x10, s19, s7, $0xb8;
	[tilespmem:$0x141B0] =	vst v63  }
0xfa: {  	_ =	swait.ge [sflag:s9], $0x3E80  }
0xfb: {  	[sflag:s9] =	ssyncset.done $0x0  }
0xfc: {  	[sflag:s9] =	ssyncadd.s32 $0xFFFFC180  }
0xfd: {  	[spmem:s2] =	stream.indirect.scatter.add.f32 [tilespmem:s10], [sflag:$0x4], $0x10, s17, s7, $0xb8;
	[tilespmem:$0x141B0] =	vst v63  }
0xfe: {  	_ =	swait.ge [sflag:s13], $0x3E80  }
0xff: {  	[sflag:s13] =	ssyncset.done $0x0  }
0x100: {  	[sflag:s13] =	ssyncadd.s32 $0xFFFFC180  }
0x101: {  	_ =	swait.ge [sflag:s12], $0x3E80  }
0x102: {  	s0 =	sadd.s32 $0xFFFFFFFF, s0;
	[sflag:s12] =	ssyncset.done $0x0  }
0x103: {  	p2 =	sne.s32 s0, $0x0;
	[sflag:s12] =	ssyncadd.s32 $0xFFFFC180  }
.Ltmp2:
0x104: {  	[bflag:$0x0] =	sbarrier.arrive $0xFFFF;
	(pc) =	sbr.rel @p2 .LBB2_3-.Ltmp2, $4  }
0x105: {  	s31 =	rddreg [dreg:$0xb]  }
0x106: {  	[hbm:s31@s28], [sflag:s5] =	dma.strided [spmem:s6@s9], $0x4F0, s8, $0x2   }
0x107: {  	_ =	swait.ge [sflag:s4], $0x4F0  }
0x108: {  	s14 =	rddreg [dreg:$0x4];
	[sflag:s4] =	ssyncset.done $0x0  }
0x109: {  	s25 =	stileid.u32  }
0x10a: {  	s26 =	rddreg [dreg:$0x3];
	s15 =	simm.s32 $0x10;
	s16 =	simm.s32 $0x4A38  }
0x10b: {  	s17 =	simm.s32 $0x4650;
	s19 =	simm.s32 $0x2328;
	s20 =	simm.s32 $0x1F40  }
0x10c: {  	s21 =	simm.s32 $0x4268;
	s22 =	simm.s32 $0x3E80;
	s28 =	simm.s32 $0x1B58  }
.LBB2_5:
0x10d: {  	[sflag:s4] =	ssyncadd.s32 @p1 $0xFFFFFB10  }
0x10e: {  	[tilespmem:s18], [sflag:$0x5] =	stream.linear.gather [hbm4b:s14+s18], $0x2710, $0x38;
	[tilespmem:$0x141B0] =	vst v63  }
0x10f: {  	_ =	swait.ge [sflag:s4], $0x2710  }
0x110: {  	[sflag:s4] =	ssyncset.done $0x0  }
0x111: {  	s0 =	rddreg [dreg:$0x5];
	[sflag:s4] =	ssyncadd.s32 $0xFFFFD8F0  }
0x112: {  	[tilespmem:s23], [sflag:$0x5] =	stream.linear.gather [hbm4b:s0+s18], $0x2710, $0x38;
	[tilespmem:$0x141B0] =	vst v63  }
0x113: {  	_ =	swait.ge [sflag:s4], $0x2710  }
0x114: {  	[sflag:s4] =	ssyncset.done $0x0  }
0x115: {  	s24 =	rddreg [dreg:$0x6];
	[sflag:s4] =	ssyncadd.s32 $0xFFFFD8F0  }
0x116: {  	[spmem:s6], [sflag:s5] =	dma.local [hbm:s24], $0x4F0  }
0x117: {  	_ =	swait.ge [sflag:s4], $0x4F0  }
0x118: {  	s1 =	simm.s32 @p0 $0xCB20;
	s14 =	simm.s32 @p0 $0x10;
	[sflag:s4] =	ssyncset.done $0x0  }
0x119: {  	s24 =	simm.s32 @p0 $0x80;
	s0 =	rddreg [dreg:$0x9];
	[sflag:s4] =	ssyncadd.s32 $0xFFFFFB10  }
0x11a: {  	[tilespmem:s1], [sflag:$0x5] =	stream.strided.gather @p0 [hbm4b:s0+s14], $0x1900, s24, s14, $0x38;
	[tilespmem:$0x141B0] =	vst v63  }
0x11b: {  	s0 =	simm.s32 @p0 $0x5  }
0x11c: {  	_ =	swait.ge @p0 [sflag:s0], $0x1900  }
0x11d: {  	[sflag:s0] =	ssyncset.done @p0 $0x0  }
0x11e: {  	s14 =	rddreg [dreg:$0xa];
	[sflag:s0] =	ssyncadd.s32 @p0 $0xFFFFE700  }
0x11f: {  	[spmem:s14] =	stream.linear.scatter @p0 [tilespmem:s1], [sflag:$0x5], $0x1900, $0x38;
	[tilespmem:$0x141B0] =	vst v63  }
0x120: {  	_ =	swait.ge @p0 [sflag:s0], $0x1900  }
0x121: {  	s24 =	simm.s32 @!p0 $0x80;
	s14 =	simm.s32 @!p0 $0x10;
	[sflag:s0] =	ssyncset.done @p0 $0x0  }
0x122: {  	s1 =	rddreg [dreg:$0x7];
	[sflag:s0] =	ssyncadd.s32 @p0 $0xFFFFE700;
	s0 =	simm.s32 @!p0 $0xCB20  }
0x123: {  	[tilespmem:s0], [sflag:$0x5] =	stream.strided.gather @!p0 [hbm4b:s1+s14], $0x2800, s24, s14, $0x38;
	[tilespmem:$0x141B0] =	vst v63  }
0x124: {  	s1 =	simm.s32 @!p0 $0x5  }
0x125: {  	_ =	swait.ge @!p0 [sflag:s1], $0x2800  }
0x126: {  	[sflag:s1] =	ssyncset.done @!p0 $0x0  }
0x127: {  	s14 =	rddreg [dreg:$0x8];
	[sflag:s1] =	ssyncadd.s32 @!p0 $0xFFFFD800  }
0x128: {  	[spmem:s14] =	stream.linear.scatter @!p0 [tilespmem:s0], [sflag:$0x5], $0x2800, $0x38;
	[tilespmem:$0x141B0] =	vst v63  }
0x129: {  	_ =	swait.ge @!p0 [sflag:s1], $0x2800  }
0x12a: {  	[sflag:s1] =	ssyncset.done @!p0 $0x0  }
0x12b: {  	[sflag:s1] =	ssyncadd.s32 @!p0 $0xFFFFD800  }
0x12c: {  	[bflag:$0x0] =	sbarrier.arrive $0xFFFF  }
0x12d: {  	[tilespmem:s11], [sflag:$0x1] =	stream.indirect.gather [spmem:s3], $0x10, s18, s7, $0xb8;
	[tilespmem:$0x141B0] =	vst v63  }
0x12e: {  	_ = 	snop  }
0x12f: {  	[tilespmem:s10], [sflag:$0x2] =	stream.indirect.gather [spmem:s3], $0x10, s7, s7, $0xb8;
	[tilespmem:$0x141B0] =	vst v63  }
0x130: {  	_ =	swait.ge [sflag:s8], $0x3E80  }
0x131: {  	[sflag:s8] =	ssyncset.done $0x0  }
0x132: {  	[sflag:s8] =	ssyncadd.s32 $0xFFFFC180  }
0x133: {  	[spmem:s2] =	stream.indirect.scatter.add.f32 [tilespmem:s11], [sflag:$0x3], $0x10, s23, s7, $0xb8;
	[tilespmem:$0x141B0] =	vst v63  }
0x134: {  	_ =	swait.ge [sflag:s9], $0x3E80  }
0x135: {  	[sflag:s9] =	ssyncset.done $0x0  }
0x136: {  	s29 =	rddreg [dreg:$0xc];
	[sflag:s9] =	ssyncadd.s32 $0xFFFFC180  }
0x137: {  	[spmem:s2] =	stream.indirect.scatter.add.f32 [tilespmem:s10], [sflag:$0x4], $0x10, s29, s7, $0xb8;
	[tilespmem:$0x141B0] =	vst v63  }
0x138: {  	_ =	swait.ge [sflag:s13], $0x3E80  }
0x139: {  	[sflag:s13] =	ssyncset.done $0x0  }
0x13a: {  	s30 =	rddreg [dreg:$0xd];
	[sflag:s13] =	ssyncadd.s32 $0xFFFFC180  }
0x13b: {  	[tilespmem:s11], [sflag:$0x1] =	stream.indirect.gather [spmem:s3], $0x10, s30, s7, $0xb8;
	[tilespmem:$0x141B0] =	vst v63  }
0x13c: {  	_ =	swait.ge [sflag:s12], $0x3E80  }
0x13d: {  	[sflag:s12] =	ssyncset.done $0x0  }
0x13e: {  	s31 =	rddreg [dreg:$0xe];
	[sflag:s12] =	ssyncadd.s32 $0xFFFFC180  }
0x13f: {  	[tilespmem:s10], [sflag:$0x2] =	stream.indirect.gather [spmem:s3], $0x10, s31, s7, $0xb8;
	[tilespmem:$0x141B0] =	vst v63  }
0x140: {  	_ =	swait.ge [sflag:s8], $0x3E80  }
0x141: {  	[sflag:s8] =	ssyncset.done $0x0  }
0x142: {  	s1 =	rddreg [dreg:$0xf];
	[sflag:s8] =	ssyncadd.s32 $0xFFFFC180  }
0x143: {  	[spmem:s2] =	stream.indirect.scatter.add.f32 [tilespmem:s11], [sflag:$0x3], $0x10, s1, s7, $0xb8;
	[tilespmem:$0x141B0] =	vst v63  }
0x144: {  	_ =	swait.ge [sflag:s9], $0x3E80  }
0x145: {  	[sflag:s9] =	ssyncset.done $0x0  }
0x146: {  	s14 =	rddreg [dreg:$0x10];
	[sflag:s9] =	ssyncadd.s32 $0xFFFFC180  }
0x147: {  	[spmem:s2] =	stream.indirect.scatter.add.f32 [tilespmem:s10], [sflag:$0x4], $0x10, s14, s7, $0xb8;
	[tilespmem:$0x141B0] =	vst v63  }
0x148: {  	_ =	swait.ge [sflag:s13], $0x3E80  }
0x149: {  	[sflag:s13] =	ssyncset.done $0x0  }
0x14a: {  	s18 =	rddreg [dreg:$0x11];
	[sflag:s13] =	ssyncadd.s32 $0xFFFFC180  }
0x14b: {  	[tilespmem:s11], [sflag:$0x1] =	stream.indirect.gather [spmem:s3], $0x10, s18, s7, $0xb8;
	[tilespmem:$0x141B0] =	vst v63  }
0x14c: {  	_ =	swait.ge [sflag:s12], $0x3E80  }
0x14d: {  	[sflag:s12] =	ssyncset.done $0x0  }
0x14e: {  	s23 =	rddreg [dreg:$0x12];
	[sflag:s12] =	ssyncadd.s32 $0xFFFFC180  }
0x14f: {  	[tilespmem:s10], [sflag:$0x2] =	stream.indirect.gather [spmem:s3], $0x10, s23, s7, $0xb8;
	[tilespmem:$0x141B0] =	vst v63  }
0x150: {  	_ =	swait.ge [sflag:s8], $0x3E80  }
0x151: {  	[sflag:s8] =	ssyncset.done $0x0  }
0x152: {  	s24 =	rddreg [dreg:$0x13];
	[sflag:s8] =	ssyncadd.s32 $0xFFFFC180  }
0x153: {  	[spmem:s2] =	stream.indirect.scatter.add.f32 [tilespmem:s11], [sflag:$0x3], $0x10, s24, s7, $0xb8;
	[tilespmem:$0x141B0] =	vst v63  }
0x154: {  	_ =	swait.ge [sflag:s9], $0x3E80  }
0x155: {  	[sflag:s9] =	ssyncset.done $0x0  }
0x156: {  	s29 =	rddreg [dreg:$0x14];
	[sflag:s9] =	ssyncadd.s32 $0xFFFFC180  }
0x157: {  	[spmem:s2] =	stream.indirect.scatter.add.f32 [tilespmem:s10], [sflag:$0x4], $0x10, s29, s7, $0xb8;
	[tilespmem:$0x141B0] =	vst v63  }
0x158: {  	_ =	swait.ge [sflag:s13], $0x3E80  }
0x159: {  	[sflag:s13] =	ssyncset.done $0x0  }
0x15a: {  	s30 =	rddreg [dreg:$0x15];
	[sflag:s13] =	ssyncadd.s32 $0xFFFFC180  }
0x15b: {  	[tilespmem:s11], [sflag:$0x1] =	stream.indirect.gather [spmem:s3], $0x10, s30, s7, $0xb8;
	[tilespmem:$0x141B0] =	vst v63  }
0x15c: {  	_ =	swait.ge [sflag:s12], $0x3E80  }
0x15d: {  	[sflag:s12] =	ssyncset.done $0x0  }
0x15e: {  	[sflag:s12] =	ssyncadd.s32 $0xFFFFC180  }
0x15f: {  	[tilespmem:s10], [sflag:$0x2] =	stream.indirect.gather [spmem:s3], $0x10, s28, s7, $0xb8;
	[tilespmem:$0x141B0] =	vst v63  }
0x160: {  	_ =	swait.ge [sflag:s8], $0x3E80  }
0x161: {  	[sflag:s8] =	ssyncset.done $0x0  }
0x162: {  	[sflag:s8] =	ssyncadd.s32 $0xFFFFC180  }
0x163: {  	[spmem:s2] =	stream.indirect.scatter.add.f32 [tilespmem:s11], [sflag:$0x3], $0x10, s22, s7, $0xb8;
	[tilespmem:$0x141B0] =	vst v63  }
0x164: {  	_ =	swait.ge [sflag:s9], $0x3E80  }
0x165: {  	[sflag:s9] =	ssyncset.done $0x0  }
0x166: {  	[sflag:s9] =	ssyncadd.s32 $0xFFFFC180  }
0x167: {  	[spmem:s2] =	stream.indirect.scatter.add.f32 [tilespmem:s10], [sflag:$0x4], $0x10, s21, s7, $0xb8;
	[tilespmem:$0x141B0] =	vst v63  }
0x168: {  	_ =	swait.ge [sflag:s13], $0x3E80  }
0x169: {  	[sflag:s13] =	ssyncset.done $0x0  }
0x16a: {  	[sflag:s13] =	ssyncadd.s32 $0xFFFFC180  }
0x16b: {  	[tilespmem:s11], [sflag:$0x1] =	stream.indirect.gather [spmem:s3], $0x10, s20, s7, $0xb8;
	[tilespmem:$0x141B0] =	vst v63  }
0x16c: {  	_ =	swait.ge [sflag:s12], $0x3E80  }
0x16d: {  	[sflag:s12] =	ssyncset.done $0x0  }
0x16e: {  	[sflag:s12] =	ssyncadd.s32 $0xFFFFC180  }
0x16f: {  	[tilespmem:s10], [sflag:$0x2] =	stream.indirect.gather [spmem:s3], $0x10, s19, s7, $0xb8;
	[tilespmem:$0x141B0] =	vst v63  }
0x170: {  	_ =	swait.ge [sflag:s8], $0x3E80  }
0x171: {  	[sflag:s8] =	ssyncset.done $0x0  }
0x172: {  	[sflag:s8] =	ssyncadd.s32 $0xFFFFC180  }
0x173: {  	[spmem:s2] =	stream.indirect.scatter.add.f32 [tilespmem:s11], [sflag:$0x3], $0x10, s17, s7, $0xb8;
	[tilespmem:$0x141B0] =	vst v63  }
0x174: {  	_ =	swait.ge [sflag:s9], $0x3E80  }
0x175: {  	[sflag:s9] =	ssyncset.done $0x0  }
0x176: {  	[sflag:s9] =	ssyncadd.s32 $0xFFFFC180  }
0x177: {  	[spmem:s2] =	stream.indirect.scatter.add.f32 [tilespmem:s10], [sflag:$0x4], $0x10, s16, s7, $0xb8;
	[tilespmem:$0x141B0] =	vst v63  }
0x178: {  	_ =	swait.ge [sflag:s13], $0x3E80  }
0x179: {  	[sflag:s13] =	ssyncset.done $0x0  }
0x17a: {  	[sflag:s13] =	ssyncadd.s32 $0xFFFFC180  }
0x17b: {  	_ =	swait.ge [sflag:s12], $0x3E80  }
0x17c: {  	[sflag:s12] =	ssyncset.done $0x0  }
0x17d: {  	[sflag:s12] =	ssyncadd.s32 $0xFFFFC180  }
0x17e: {  	[bflag:$0x0] =	sbarrier.arrive $0xFFFF  }
0x17f: {  	s31 =	rddreg [dreg:$0xb]  }
0x180: {  	[hbm:s31@s15], [sflag:s5] =	dma.strided [spmem:s6@s9], $0x4F0, s8, $0x2   }
0x181: {  	_ =	swait.ge [sflag:s4], $0x4F0  }
0x182: {  	[sflag:s4] =	ssyncset.done $0x0  }
0x183: {  	[sflag:s4] =	ssyncadd.s32 $0xFFFFFB10  }
0x184: {  	_ =	sfence.sel $0x180000  }
0x185: {  	[bflag:$0x0] =	sbarrier.arrive $0xFFFF  }
0x186: {  	p0 =	sne.s32 s25, $0x0;
	_ =	strace $0x9000004D  }
0x187: {  	s0 =	sadd.s32 @!p0 $0x100000, s26;
	[bflag:$0x2] =	sbarrier.arrive $0xFFFF  }
0x188: {  	[sflag:s0] =	ssyncadd.tile.s32 @!p0 $0x1;
	_ =	shalt  }
.LBB2_2:
.Ltmp3:
0x189: {  	(pc) =	sbr.rel .LBB2_5-.Ltmp3, $4  }
0x18a: {  	s25 =	stileid.u32  }
0x18b: {  	s26 =	rddreg [dreg:$0x3];
	s15 =	simm.s32 $0x10;
	s16 =	simm.s32 $0x4A38  }
0x18c: {  	s17 =	simm.s32 $0x4650;
	s19 =	simm.s32 $0x2328;
	s20 =	simm.s32 $0x1F40  }
0x18d: {  	s21 =	simm.s32 $0x4268;
	s22 =	simm.s32 $0x3E80;
	s28 =	simm.s32 $0x1B58  }
.Lfunc_end2:
_tile_overlayer_lowered:
.L_overlay_start_2:
0x18e: {  	(tag) =	ssettag $0x2  }
0x18f: {  	s0 =	rddreg [dreg:$0x0];
	s2 =	stileid.u32  }
0x190: {  	s1 =	rddreg [dreg:$0x1];
	p0 =	sne.s32 s2, $0x0  }
0x191: {  	s3 =	rddreg [dreg:$0x2];
	[bflag:$0x3] =	sbarrier.arrive $0xFFFF;
	s2 =	simm.s32 @!p0 $0x1C05  }
0x192: {  	[timem:s3], [sflag:s2] =	dma.local @!p0 [hbm:s0], s1  }
0x193: {  	s0 =	simm.s32 @!p0 $0x5  }
0x194: {  	_ =	swait.ge @!p0 [sflag:s0], s1  }
0x195: {  	s1 =	ssub.s32 @!p0 $0x0, s1;
	[sflag:s0] =	ssyncset.done @!p0 $0x0  }
0x196: {  	[sflag:s0] =	ssyncadd.s32 @!p0 s1  }
0x197: {  	[bflag:$0x3] =	sbarrier.arrive $0xFFFF  }
0x198: {  	_ =	shalt  }

// kernel: kernel.9.cloned.1.call-start
scs
__scs_entry_jumppad:
0x0: {  	(pc) =	sbr.rel $0x88, $3  }
0x1: {  	(tag) =	ssettag $0x0;
	lr =	simm.s32 $0x1  }
0x2: {  	[smem:$0x3F99] =	sst lr;
	_ =	strace $0xD0000000  }
0x3: {  	_ = 	snop  }
0x4: {  	_ = 	snop  }
0x5: {  	_ = 	snop  }
0x6: {  	_ = 	snop  }
0x7: {  	_ = 	snop  }
__scs_overlays_trampoline_lowered:
0x8: {  	[smem:$0x3FA8] =	sst s0  }
0x9: {  	[smem:$0x3FA9] =	sst s1  }
0xa: {  	[smem:$0x3FAA] =	sst s2  }
0xb: {  	[smem:$0x3FAB] =	sst s3  }
0xc: {  	[smem:$0x3FAC] =	sst s4  }
0xd: {  	[smem:$0x3FAD] =	sst s5  }
0xe: {  	[smem:$0x3FAE] =	sst s6  }
0xf: {  	[smem:$0x3FAF] =	sst s7  }
0x10: {  	[smem:$0x3FB0] =	sst s8  }
0x11: {  	[smem:$0x3FB1] =	sst s9;
	s0 =	simm.s32 @!p0 $0x0  }
0x12: {  	s1 =	sld [smem:$0x3F97];
	s0 =	simm.s32 @p0 $0x1  }
0x13: {  	[smem:$0x3FB2] =	sst s0;
	s0 =	simm.s32 @!p1 $0x0  }
0x14: {  	s2 =	sld [smem:$0x3F96];
	s0 =	simm.s32 @p1 $0x1  }
0x15: {  	[smem:$0x3FB3] =	sst s0;
	s0 =	simm.s32 @!p2 $0x0  }
0x16: {  	s3 =	sld [smem:$0x3FDB];
	s0 =	simm.s32 @p2 $0x1  }
0x17: {  	s4 =	simm.s32 $0x1BF5;
	[smem:$0x3FB5] =	sst s0  }
0x18: {  	s0 =	sld [smem:$0x3F98];
	_ =	swait.ge [sflag:s4], $0x0  }
0x19: {  	s7 =	sld [smem:$0x3F99]  }
0x1a: {  	s8 =	sadd.s32 $0xFFFFE003, lr  }
0x1b: {  	s9 =	sadd.s32 $0xFFFFFEF7, lr;
	s5 =	simm.s32 $0xFFFFFFFF;
	p2 =	slt.u32 s8, $0xFFFFF086  }
0x1c: {  	p1 =	slt.u32 s9, $0xF7A;
	s5 =	simm.s32 @!p2 $0x0  }
0x1d: {  	s5 =	simm.s32 @p1 $0x1;
	p0 =	seq.s32 s7, s2  }
0x1e: {  	s7 =	smul.u32 @!p0 $0xF7A, s2;
	p2 =	seq.s32 @!p0 s5, $0x0  }
0x1f: {  	s9 =	smul.u32 $0xF7A, s1;
	s8 =	simm.s32 @!p0 $0x1BF5;
	p2 =	por !p2, p0  }
0x20: {  	[sflag:s8] =	ssyncset.s32 @!p0 $0xFFFFF086;
	s6 =	sadd.s32 @!p0 s3, s7;
	s7 =	simm.s32 @!p0 $0x108  }
0x21: {  	s3 =	sadd.s32 s3, s9;
	s6 =	sadd.s32 @!p0 $0x88, s6;
	s7 =	simm.s32 @p2 $0x1082  }
0x22: {  	[simem:s7], [sflag:s8] =	dma.local @!p0 [hbm:s6], $0xF7A  }
0x23: {  	s9 =	sor.u32 $0xD0000000, s2;
	s6 =	simm.s32 $0x108;
	_ =	swait.ge @!p0 [sflag:s8], $0x0  }
0x24: {  	s3 =	sadd.s32 $0x88, s3;
	s6 =	simm.s32 @!p1 $0x1082;
	[sflag:s4] =	ssyncset.s32 $0xFFFFF086  }
0x25: {  	[simem:s6], [sflag:s4] =	dma.local [hbm:s3], $0xF7A  }
0x26: {  	[smem:$0x3F99] =	sst s1;
	(tag) =	ssettag s2;
	_ =	strace s9  }
0x27: {  	s1 =	sld [smem:$0x3FA9]  }
0x28: {  	s2 =	sld [smem:$0x3FAA]  }
0x29: {  	s4 =	sld [smem:$0x3FAC]  }
0x2a: {  	p0 =	seq.s32 s5, $0x0;
	s5 =	sld [smem:$0x3FAD]  }
0x2b: {  	s6 =	sld [smem:$0x3FAE]  }
0x2c: {  	s7 =	sld [smem:$0x3FAF]  }
0x2d: {  	s3 =	simm.s32 $0x108;
	s8 =	sld [smem:$0x3FB0]  }
0x2e: {  	s3 =	simm.s32 @!p0 $0x1082;
	s9 =	sld [smem:$0x3FB1]  }
0x2f: {  	lr =	sadd.s32 s0, s3;
	s0 =	sld [smem:$0x3FA8]  }
0x30: {  	s3 =	sld [smem:$0x3FAB]  }
0x31: {  	[smem:$0x3FB4] =	sst s10  }
0x32: {  	s10 =	sld [smem:$0x3FB2];
	_ =	sdelay $0x3  }
0x33: {  	p0 =	seq.s32 s10, $0x1;
	s10 =	sld [smem:$0x3FB4];
	_ =	sdelay $0x3  }
0x34: {  	[smem:$0x3FB4] =	sst s10  }
0x35: {  	s10 =	sld [smem:$0x3FB3];
	_ =	sdelay $0x3  }
0x36: {  	p1 =	seq.s32 s10, $0x1;
	s10 =	sld [smem:$0x3FB4];
	_ =	sdelay $0x3  }
0x37: {  	[smem:$0x3FB4] =	sst s10  }
0x38: {  	s10 =	sld [smem:$0x3FB5]  }
0x39: {  	_ = 	snop;
	(pc) =	sbr.ind lr, $3  }
0x3a: {  	_ = 	snop  }
0x3b: {  	_ = 	snop  }
0x3c: {  	p2 =	seq.s32 s10, $0x1;
	s10 =	sld [smem:$0x3FB4]  }
0x3d: {  	_ =	shalt  }
0x3e: {  	_ =	shalt  }
0x3f: {  	_ =	shalt  }
0x40: {  	_ =	shalt  }
0x41: {  	_ =	shalt  }
0x42: {  	_ =	shalt  }
0x43: {  	_ =	shalt  }
0x44: {  	_ =	shalt  }
0x45: {  	_ =	shalt  }
0x46: {  	_ =	shalt  }
0x47: {  	_ =	shalt  }
0x48: {  	_ =	shalt  }
0x49: {  	_ =	shalt  }
0x4a: {  	_ =	shalt  }
0x4b: {  	_ =	shalt  }
0x4c: {  	_ =	shalt  }
0x4d: {  	_ =	shalt  }
0x4e: {  	_ =	shalt  }
0x4f: {  	_ =	shalt  }
0x50: {  	_ =	shalt  }
0x51: {  	_ =	shalt  }
0x52: {  	_ =	shalt  }
0x53: {  	_ =	shalt  }
0x54: {  	_ =	shalt  }
0x55: {  	_ =	shalt  }
0x56: {  	_ =	shalt  }
0x57: {  	_ =	shalt  }
0x58: {  	_ =	shalt  }
0x59: {  	_ =	shalt  }
0x5a: {  	_ =	shalt  }
0x5b: {  	_ =	shalt  }
0x5c: {  	_ =	shalt  }
0x5d: {  	_ =	shalt  }
0x5e: {  	_ =	shalt  }
0x5f: {  	_ =	shalt  }
0x60: {  	_ =	shalt  }
0x61: {  	_ =	shalt  }
0x62: {  	_ =	shalt  }
0x63: {  	_ =	shalt  }
0x64: {  	_ =	shalt  }
0x65: {  	_ =	shalt  }
0x66: {  	_ =	shalt  }
0x67: {  	_ =	shalt  }
0x68: {  	_ =	shalt  }
0x69: {  	_ =	shalt  }
0x6a: {  	_ =	shalt  }
0x6b: {  	_ =	shalt  }
0x6c: {  	_ =	shalt  }
0x6d: {  	_ =	shalt  }
0x6e: {  	_ =	shalt  }
0x6f: {  	_ =	shalt  }
0x70: {  	_ =	shalt  }
0x71: {  	_ =	shalt  }
0x72: {  	_ =	shalt  }
0x73: {  	_ =	shalt  }
0x74: {  	_ =	shalt  }
0x75: {  	_ =	shalt  }
0x76: {  	_ =	shalt  }
0x77: {  	_ =	shalt  }
0x78: {  	_ =	shalt  }
0x79: {  	_ =	shalt  }
0x7a: {  	_ =	shalt  }
0x7b: {  	_ =	shalt  }
0x7c: {  	_ =	shalt  }
0x7d: {  	_ =	shalt  }
0x7e: {  	_ =	shalt  }
0x7f: {  	_ =	shalt  }
0x80: {  	_ =	shalt  }
0x81: {  	_ =	shalt  }
0x82: {  	_ =	shalt  }
0x83: {  	_ =	shalt  }
0x84: {  	_ =	shalt  }
0x85: {  	_ =	shalt  }
0x86: {  	_ =	shalt  }
0x87: {  	_ =	shalt  }
.Lfunc_end0:
.L_simem_size_0:
called_computation_lowered:
.L_overlay_start_0:
0x88: {  	s2 =	sld [smem:$0x3FD9]  }
0x89: {  	s3 =	sld [smem:$0x3FFE];
	_ =	sdelay $0x1  }
0x8a: {  	s1 =	srdreg.scid  }
0x8b: {  	s0 =	sand.u32 $0x1, s1  }
0x8c: {  	s17 =	sshll.u32 s0, $0xA;
	s2 =	sadd.s32 s3, s2  }
0x8d: {  	s2 =	sadd.s32 s2, s17  }
0x8e: {  	[smem:$0x3FC0] =	sst s2  }
0x8f: {  	_ = 	snop  }
0x90: {  	s2 =	sld [smem:$0x3FD0];
	(tm) =	ssettm $0x1  }
0x91: {  	s18 =	sld [smem:$0x3FFB];
	_ =	sdelay $0x3  }
0x92: {  	_ =	strace s18  }
0x93: {  	s3 =	sld [smem:$0x3FFC];
	_ =	sdelay $0x3  }
0x94: {  	_ =	strace s3  }
0x95: {  	s3 =	sld [smem:$0x3FFD];
	_ =	sdelay $0x3  }
0x96: {  	_ =	strace s3  }
0x97: {  	_ =	strace $0x8FFFFFFF  }
0x98: {  	s19 =	sld [smem:$0x3FDB];
	_ =	sdelay $0x1  }
0x99: {  	s4 =	simm.s32 $_scs_section_size  }
0x9a: {  	s5 =	simm.s32 $_size__tile_overlayer_lowered;
	s6 =	simm.s32 $_tile_overlayer_lowered  }
0x9b: {  	s22 =	simm.s32 $0x1BFF;
	s21 =	sshll.u32 s6, $0x1;
	s3 =	sadd.s32 s4, s19  }
0x9c: {  	s7 =	simm.s32 $0x0;
	s20 =	sshll.u32 s5, $0x1;
	s5 =	sadd.s32 s21, s3  }
0x9d: {  	[timem:s7], [sflag:s22] =	dma.local [hbm:s5], s20  }
0x9e: {  	_ =	swait.ge [sflag:s22], s20  }
0x9f: {  	s4 =	ssub.s32 $0x0, s20;
	[sflag:s22] =	ssyncset.done $0x0  }
0xa0: {  	[sflag:s22] =	ssyncadd.s32 s4;
	_ =	sdelay $0x1  }
0xa1: {  	s23 =	simm.s32 $0x1B8B  }
0xa2: {  	_ =	swait.ge [sflag:s23], $0x1  }
0xa3: {  	[sflag:s23] =	ssyncset.done $0x0  }
0xa4: {  	s25 =	simm.s32 $0x1B8E;
	s24 =	sld [smem:$0x3FFE];
	[sflag:s23] =	ssyncadd.s32 $0xFFFFFFFF  }
0xa5: {  	s26 =	simm.s32 $execute0_lowered;
	[smem:$0x3FD2] =	sst s25  }
0xa6: {  	s5 =	sshll.u32 s26, $0x1;
	_ =	strace $0x80000046;
	[dreg:$0x1] =	wrdreg $0xFFFFFFFF  }
0xa7: {  	s28 =	simm.s32 $_size_execute0_lowered;
	s3 =	sadd.s32 s3, s5;
	[dreg:$0x0] =	wrdreg $0x0  }
0xa8: {  	s5 =	sshll.u32 s28, $0x1;
	[dreg:$0x2] =	wrdreg s3  }
0xa9: {  	[dreg:$0x3] =	wrdreg s5  }
0xaa: {  	[dreg:$0x4] =	wrdreg $0xC0  }
0xab: {  	_ =	task [dreg:s7], $0x5FFFF  }
0xac: {  	[dreg:$0x1] =	wrdreg $0xFFFFFFFF  }
0xad: {  	[dreg:$0x0] =	wrdreg $0x60  }
0xae: {  	[dreg:$0x2] =	wrdreg s24  }
0xaf: {  	[dreg:$0x3] =	wrdreg s2  }
0xb0: {  	[dreg:$0x4] =	wrdreg $0x46500  }
0xb1: {  	[dreg:$0x5] =	wrdreg $0x9  }
0xb2: {  	_ =	task.clear_ibuf [dreg:s7], $0x6FFFF;
	_ =	strace $0x90000046  }
0xb3: {  	s29 =	simm.s32 $0x9;
	_ =	strace $0x80000048  }
0xb4: {  	_ =	swait.ge [sflag:s29], $0x1  }
0xb5: {  	[sflag:s29] =	ssyncadd.s32 $0xFFFFFFFF  }
0xb6: {  	_ =	strace $0x90000048  }
0xb7: {  	_ =	sfence  }
0xb8: {  	s30 =	sld [smem:$0x0];
	_ =	sdelay $0x2  }
0xb9: {  	s31 =	sshll.u32 s1, $0xD;
	s1 =	sshrl.u32 s1, $0x2  }
0xba: {  	s3 =	sand.u32 $0x4000, s31;
	s1 =	sadd.s32 s1, s30  }
0xbb: {  	s0 =	sor.u32 s3, s0;
	s1 =	sshll.u32 s1, $0x11  }
0xbc: {  	s0 =	sor.u32 s1, s0  }
0xbd: {  	s0 =	sadd.s32 $0x8F2B, s0  }
0xbe: {  	[sflag:s0] =	ssyncadd.remote.s32 $0x1  }
0xbf: {  	_ =	sfence.sel $0xFFFF  }
0xc0: {  	[dreg:$0x0] =	wrdreg $0xFFFFFFFF;
	(pc) =	sbr.abs _section_cstart, $3  }
0xc1: {  	[dreg:$0x1] =	wrdreg $0xFFFFFFFF  }
0xc2: {  	_ =	task.clear_ibuf [dreg:s7], $0x2FFFF;
	_ =	strace $0x9FFFFFFF  }
0xc3: {  	(tm) =	ssettm $0x7FFFFFFF  }
tec
execute0_lowered:
.L_overlay_start_1:
0x0: {  	(tag) =	ssettag $0x1  }
0x1: {  	s0 =	srdreg.scid  }
0x2: {  	s21 =	sand.u32 $0x1, s0  }
0x3: {  	s0 =	stileid.u32;
	s1 =	sshll.u32 s21, $0x4  }
0x4: {  	s22 =	rddreg [dreg:$0x0];
	s1 =	sor.u32 s0, s1  }
0x5: {  	s2 =	rddreg [dreg:$0x1];
	s5 =	smul.u32 $0x2710, s1  }
0x6: {  	s3 =	rddreg [dreg:$0x2];
	s4 =	simm.s32 $0x0  }
0x7: {  	[smem:$0x7FF] =	sst s4;
	s5 =	sshrl.u32 s5, $0x3  }
0x8: {  	s1 =	rddreg [dreg:$0x3];
	s5 =	sadd.s32 s22, s5  }
0x9: {  	_ =	strace $0x80000047;
	s6 =	sadd.s32 $0xCE40, s5;
	s5 =	simm.s32 $0x2  }
0xa: {  	[tilespmem:s4], [sflag:$0x2] =	stream.linear.gather [hbm4b:s6+s4], $0x2710, $0x38;
	[tilespmem:$0x5A10] =	vst v63  }
0xb: {  	_ =	swait.ge [sflag:s5], $0x2710  }
0xc: {  	s7 =	simm.s32 $0x2710;
	[sflag:s5] =	ssyncset.done $0x0  }
0xd: {  	s8 =	smul.u32 $0x13C0, s0;
	s30 =	sshll.u32 s0, $0x6;
	[sflag:s5] =	ssyncadd.s32 $0xFFFFD8F0  }
0xe: {  	[tilespmem:s7], [sflag:$0x2] =	stream.linear.gather [hbm4b:s2+s4], $0x1F40, $0x38;
	[tilespmem:$0x5A10] =	vst v63  }
0xf: {  	s9 =	sshrl.u32 s8, $0x3;
	s10 =	sadd.s32 s8, s3;
	_ =	swait.ge [sflag:s5], $0x1F40  }
0x10: {  	s9 =	sadd.s32 s9, s22;
	s10 =	sshrl.u32 s10, $0x3;
	[sflag:s5] =	ssyncset.done $0x0  }
0x11: {  	s8 =	sadd.s32 $0x16C00, s9;
	s9 =	sor.u32 $0x1C02, s30;
	[sflag:s5] =	ssyncadd.s32 $0xFFFFE0C0  }
0x12: {  	[spmem:s10], [sflag:s9] =	dma.local [hbm:s8], $0x278  }
0x13: {  	_ =	swait.ge [sflag:s5], $0x278  }
0x14: {  	[sflag:s5] =	ssyncset.done $0x0  }
0x15: {  	[sflag:s5] =	ssyncadd.s32 $0xFFFFFD88  }
0x16: {  	s11 =	simm.s32 $0x3E8;
	[bflag:$0x0] =	sbarrier.arrive $0xFFFF  }
0x17: {  	[spmem:s3] =	stream.indirect.scatter.add.f32 [tilespmem:s7], [sflag:$0x1], $0x8, s4, s11, $0xb8;
	[tilespmem:$0x5A10] =	vst v63  }
0x18: {  	_ = 	snop  }
0x19: {  	[spmem:s3] =	stream.indirect.scatter.add.f32 [tilespmem:s7], [sflag:$0x1], $0x8, s11, s11, $0xb8;
	[tilespmem:$0x5A10] =	vst v63  }
0x1a: {  	s12 =	simm.s32 $0x7D0  }
0x1b: {  	[spmem:s3] =	stream.indirect.scatter.add.f32 [tilespmem:s7], [sflag:$0x1], $0x8, s12, s11, $0xb8;
	[tilespmem:$0x5A10] =	vst v63  }
0x1c: {  	s13 =	simm.s32 $0xBB8  }
0x1d: {  	[spmem:s3] =	stream.indirect.scatter.add.f32 [tilespmem:s7], [sflag:$0x1], $0x8, s13, s11, $0xb8;
	[tilespmem:$0x5A10] =	vst v63  }
0x1e: {  	s14 =	simm.s32 $0xFA0  }
0x1f: {  	[spmem:s3] =	stream.indirect.scatter.add.f32 [tilespmem:s7], [sflag:$0x1], $0x8, s14, s11, $0xb8;
	[tilespmem:$0x5A10] =	vst v63  }
0x20: {  	s15 =	simm.s32 $0x1388  }
0x21: {  	[spmem:s3] =	stream.indirect.scatter.add.f32 [tilespmem:s7], [sflag:$0x1], $0x8, s15, s11, $0xb8;
	[tilespmem:$0x5A10] =	vst v63  }
0x22: {  	s16 =	simm.s32 $0x1770  }
0x23: {  	[spmem:s3] =	stream.indirect.scatter.add.f32 [tilespmem:s7], [sflag:$0x1], $0x8, s16, s11, $0xb8;
	[tilespmem:$0x5A10] =	vst v63  }
0x24: {  	s17 =	simm.s32 $0x1B58  }
0x25: {  	[spmem:s3] =	stream.indirect.scatter.add.f32 [tilespmem:s7], [sflag:$0x1], $0x8, s17, s11, $0xb8;
	[tilespmem:$0x5A10] =	vst v63  }
0x26: {  	s18 =	simm.s32 $0x1F40  }
0x27: {  	[spmem:s3] =	stream.indirect.scatter.add.f32 [tilespmem:s7], [sflag:$0x1], $0x8, s18, s11, $0xb8;
	[tilespmem:$0x5A10] =	vst v63  }
0x28: {  	s19 =	simm.s32 $0x2328;
	s20 =	simm.s32 $0x1  }
0x29: {  	[spmem:s3] =	stream.indirect.scatter.add.f32 [tilespmem:s7], [sflag:$0x1], $0x8, s19, s11, $0xb8;
	[tilespmem:$0x5A10] =	vst v63  }
0x2a: {  	_ =	swait.ge [sflag:s20], $0x1F40  }
0x2b: {  	[sflag:s20] =	ssyncset.done $0x0  }
0x2c: {  	[sflag:s20] =	ssyncadd.s32 $0xFFFFE0C0  }
0x2d: {  	_ =	swait.ge [sflag:s20], $0x1F40  }
0x2e: {  	[sflag:s20] =	ssyncset.done $0x0  }
0x2f: {  	[sflag:s20] =	ssyncadd.s32 $0xFFFFE0C0  }
0x30: {  	_ =	swait.ge [sflag:s20], $0x1F40  }
0x31: {  	[sflag:s20] =	ssyncset.done $0x0  }
0x32: {  	[sflag:s20] =	ssyncadd.s32 $0xFFFFE0C0  }
0x33: {  	_ =	swait.ge [sflag:s20], $0x1F40  }
0x34: {  	[sflag:s20] =	ssyncset.done $0x0  }
0x35: {  	[sflag:s20] =	ssyncadd.s32 $0xFFFFE0C0  }
0x36: {  	_ =	swait.ge [sflag:s20], $0x1F40  }
0x37: {  	[sflag:s20] =	ssyncset.done $0x0  }
0x38: {  	[sflag:s20] =	ssyncadd.s32 $0xFFFFE0C0  }
0x39: {  	_ =	swait.ge [sflag:s20], $0x1F40  }
0x3a: {  	[sflag:s20] =	ssyncset.done $0x0  }
0x3b: {  	[sflag:s20] =	ssyncadd.s32 $0xFFFFE0C0  }
0x3c: {  	_ =	swait.ge [sflag:s20], $0x1F40  }
0x3d: {  	[sflag:s20] =	ssyncset.done $0x0  }
0x3e: {  	[sflag:s20] =	ssyncadd.s32 $0xFFFFE0C0  }
0x3f: {  	_ =	swait.ge [sflag:s20], $0x1F40  }
0x40: {  	[sflag:s20] =	ssyncset.done $0x0  }
0x41: {  	s23 =	smul.u32 $0x2780, s0;
	[sflag:s20] =	ssyncadd.s32 $0xFFFFE0C0  }
0x42: {  	s22 =	sadd.s32 s21, s22;
	s21 =	ssub.s32 $0x2, s21;
	_ =	swait.ge [sflag:s20], $0x1F40  }
0x43: {  	s31 =	sshrl.u32 s21, $0x1;
	[sflag:s20] =	ssyncset.done $0x0  }
0x44: {  	s22 =	sadd.s32 s23, s22;
	s23 =	ssub.s32 s21, s31;
	[sflag:s20] =	ssyncadd.s32 $0xFFFFE0C0  }
0x45: {  	s23 =	smax.u32 s23, $0x1;
	_ =	swait.ge [sflag:s20], $0x1F40  }
0x46: {  	p0 =	sne.s32 s23, $0x1;
	[sflag:s20] =	ssyncset.done $0x0  }
.Ltmp0:
0x47: {  	[sflag:s20] =	ssyncadd.s32 $0xFFFFE0C0;
	(pc) =	sbr.rel @!p0 .LBB2_2-.Ltmp0, $4  }
0x48: {  	s21 =	sadd.s32 $0x19400, s22;
	s22 =	simm.s32 $0x10;
	[bflag:$0x0] =	sbarrier.arrive $0xFFFF  }
0x49: {  	[hbm:s21@s22], [sflag:s9] =	dma.strided [spmem:s10@s20], $0x278, s20, $0x1   }
0x4a: {  	_ =	swait.ge [sflag:s5], $0x278  }
0x4b: {  	s23 =	sadd.s32 $0xFFFFFFFF, s23;
	[sflag:s5] =	ssyncset.done $0x0  }
.LBB2_1:
0x4c: {  	p0 =	sne.s32 s23, $0x1;
	s23 =	sadd.s32 $0xFFFFFFFF, s23;
	[sflag:s5] =	ssyncadd.s32 $0xFFFFFD88  }
0x4d: {  	[tilespmem:s4], [sflag:$0x2] =	stream.linear.gather [hbm4b:s6+s4], $0x2710, $0x38;
	[tilespmem:$0x5A10] =	vst v63  }
0x4e: {  	_ =	swait.ge [sflag:s5], $0x2710  }
0x4f: {  	[sflag:s5] =	ssyncset.done $0x0  }
0x50: {  	[sflag:s5] =	ssyncadd.s32 $0xFFFFD8F0  }
0x51: {  	[tilespmem:s7], [sflag:$0x2] =	stream.linear.gather [hbm4b:s2+s4], $0x1F40, $0x38;
	[tilespmem:$0x5A10] =	vst v63  }
0x52: {  	_ =	swait.ge [sflag:s5], $0x1F40  }
0x53: {  	[sflag:s5] =	ssyncset.done $0x0  }
0x54: {  	[sflag:s5] =	ssyncadd.s32 $0xFFFFE0C0  }
0x55: {  	[spmem:s10], [sflag:s9] =	dma.local [hbm:s8], $0x278  }
0x56: {  	_ =	swait.ge [sflag:s5], $0x278  }
0x57: {  	[sflag:s5] =	ssyncset.done $0x0  }
0x58: {  	[sflag:s5] =	ssyncadd.s32 $0xFFFFFD88  }
0x59: {  	[bflag:$0x0] =	sbarrier.arrive $0xFFFF  }
0x5a: {  	[spmem:s3] =	stream.indirect.scatter.add.f32 [tilespmem:s7], [sflag:$0x1], $0x8, s4, s11, $0xb8;
	[tilespmem:$0x5A10] =	vst v63  }
0x5b: {  	_ = 	snop  }
0x5c: {  	[spmem:s3] =	stream.indirect.scatter.add.f32 [tilespmem:s7], [sflag:$0x1], $0x8, s11, s11, $0xb8;
	[tilespmem:$0x5A10] =	vst v63  }
0x5d: {  	_ = 	snop  }
0x5e: {  	[spmem:s3] =	stream.indirect.scatter.add.f32 [tilespmem:s7], [sflag:$0x1], $0x8, s12, s11, $0xb8;
	[tilespmem:$0x5A10] =	vst v63  }
0x5f: {  	_ = 	snop  }
0x60: {  	[spmem:s3] =	stream.indirect.scatter.add.f32 [tilespmem:s7], [sflag:$0x1], $0x8, s13, s11, $0xb8;
	[tilespmem:$0x5A10] =	vst v63  }
0x61: {  	_ = 	snop  }
0x62: {  	[spmem:s3] =	stream.indirect.scatter.add.f32 [tilespmem:s7], [sflag:$0x1], $0x8, s14, s11, $0xb8;
	[tilespmem:$0x5A10] =	vst v63  }
0x63: {  	_ = 	snop  }
0x64: {  	[spmem:s3] =	stream.indirect.scatter.add.f32 [tilespmem:s7], [sflag:$0x1], $0x8, s15, s11, $0xb8;
	[tilespmem:$0x5A10] =	vst v63  }
0x65: {  	_ = 	snop  }
0x66: {  	[spmem:s3] =	stream.indirect.scatter.add.f32 [tilespmem:s7], [sflag:$0x1], $0x8, s16, s11, $0xb8;
	[tilespmem:$0x5A10] =	vst v63  }
0x67: {  	_ = 	snop  }
0x68: {  	[spmem:s3] =	stream.indirect.scatter.add.f32 [tilespmem:s7], [sflag:$0x1], $0x8, s17, s11, $0xb8;
	[tilespmem:$0x5A10] =	vst v63  }
0x69: {  	_ = 	snop  }
0x6a: {  	[spmem:s3] =	stream.indirect.scatter.add.f32 [tilespmem:s7], [sflag:$0x1], $0x8, s18, s11, $0xb8;
	[tilespmem:$0x5A10] =	vst v63  }
0x6b: {  	_ = 	snop  }
0x6c: {  	[spmem:s3] =	stream.indirect.scatter.add.f32 [tilespmem:s7], [sflag:$0x1], $0x8, s19, s11, $0xb8;
	[tilespmem:$0x5A10] =	vst v63  }
0x6d: {  	_ =	swait.ge [sflag:s20], $0x1F40  }
0x6e: {  	[sflag:s20] =	ssyncset.done $0x0  }
0x6f: {  	[sflag:s20] =	ssyncadd.s32 $0xFFFFE0C0  }
0x70: {  	_ =	swait.ge [sflag:s20], $0x1F40  }
0x71: {  	[sflag:s20] =	ssyncset.done $0x0  }
0x72: {  	[sflag:s20] =	ssyncadd.s32 $0xFFFFE0C0  }
0x73: {  	_ =	swait.ge [sflag:s20], $0x1F40  }
0x74: {  	[sflag:s20] =	ssyncset.done $0x0  }
0x75: {  	[sflag:s20] =	ssyncadd.s32 $0xFFFFE0C0  }
0x76: {  	_ =	swait.ge [sflag:s20], $0x1F40  }
0x77: {  	[sflag:s20] =	ssyncset.done $0x0  }
0x78: {  	[sflag:s20] =	ssyncadd.s32 $0xFFFFE0C0  }
0x79: {  	_ =	swait.ge [sflag:s20], $0x1F40  }
0x7a: {  	[sflag:s20] =	ssyncset.done $0x0  }
0x7b: {  	[sflag:s20] =	ssyncadd.s32 $0xFFFFE0C0  }
0x7c: {  	_ =	swait.ge [sflag:s20], $0x1F40  }
0x7d: {  	[sflag:s20] =	ssyncset.done $0x0  }
0x7e: {  	[sflag:s20] =	ssyncadd.s32 $0xFFFFE0C0  }
0x7f: {  	_ =	swait.ge [sflag:s20], $0x1F40  }
0x80: {  	[sflag:s20] =	ssyncset.done $0x0  }
0x81: {  	[sflag:s20] =	ssyncadd.s32 $0xFFFFE0C0  }
0x82: {  	_ =	swait.ge [sflag:s20], $0x1F40  }
0x83: {  	[sflag:s20] =	ssyncset.done $0x0  }
0x84: {  	[sflag:s20] =	ssyncadd.s32 $0xFFFFE0C0  }
0x85: {  	_ =	swait.ge [sflag:s20], $0x1F40  }
0x86: {  	[sflag:s20] =	ssyncset.done $0x0  }
0x87: {  	[sflag:s20] =	ssyncadd.s32 $0xFFFFE0C0  }
0x88: {  	_ =	swait.ge [sflag:s20], $0x1F40  }
0x89: {  	[sflag:s20] =	ssyncset.done $0x0  }
.Ltmp1:
0x8a: {  	[sflag:s20] =	ssyncadd.s32 $0xFFFFE0C0;
	(pc) =	sbr.rel @p0 .LBB2_1-.Ltmp1, $4  }
0x8b: {  	[bflag:$0x0] =	sbarrier.arrive $0xFFFF  }
0x8c: {  	[hbm:s21@s22], [sflag:s9] =	dma.strided [spmem:s10@s20], $0x278, s20, $0x1   }
0x8d: {  	_ =	swait.ge [sflag:s5], $0x278  }
0x8e: {  	[sflag:s5] =	ssyncset.done $0x0  }
.LBB2_2:
0x8f: {  	[sflag:s5] =	ssyncadd.s32 $0xFFFFFD88  }
0x90: {  	_ =	sfence.sel $0x180000  }
0x91: {  	[bflag:$0x0] =	sbarrier.arrive $0xFFFF  }
0x92: {  	p0 =	sne.s32 s0, $0x0;
	_ =	strace $0x90000047  }
0x93: {  	s0 =	sadd.s32 @!p0 $0x100000, s1;
	[bflag:$0x2] =	sbarrier.arrive $0xFFFF  }
0x94: {  	[sflag:s0] =	ssyncadd.tile.s32 @!p0 $0x1;
	_ =	shalt  }
.Lfunc_end2:
_tile_overlayer_lowered:
.L_overlay_start_2:
0x95: {  	(tag) =	ssettag $0x2  }
0x96: {  	s0 =	rddreg [dreg:$0x0];
	s2 =	stileid.u32  }
0x97: {  	s1 =	rddreg [dreg:$0x1];
	p0 =	sne.s32 s2, $0x0  }
0x98: {  	s3 =	rddreg [dreg:$0x2];
	[bflag:$0x3] =	sbarrier.arrive $0xFFFF;
	s2 =	simm.s32 @!p0 $0x1C02  }
0x99: {  	[timem:s3], [sflag:s2] =	dma.local @!p0 [hbm:s0], s1  }
0x9a: {  	s0 =	simm.s32 @!p0 $0x2  }
0x9b: {  	_ =	swait.ge @!p0 [sflag:s0], s1  }
0x9c: {  	s1 =	ssub.s32 @!p0 $0x0, s1;
	[sflag:s0] =	ssyncset.done @!p0 $0x0  }
0x9d: {  	[sflag:s0] =	ssyncadd.s32 @!p0 s1  }
0x9e: {  	[bflag:$0x3] =	sbarrier.arrive $0xFFFF  }
0x9f: {  	_ =	shalt  }

</sc_bundles>
